<compile_context>
chip_gen: v7x
topology: tpu7x:2x2x1
jax: 0.10.2.dev20260603
libtpu: 0.0.44.dev20260713+nightly
codegen_flags: <defaults>
</compile_context>

<pallas_src>
import functools

import jax
import jax.numpy as jnp
from jax import lax
from jax.experimental import pallas as pl
from jax.experimental.pallas import tpu as pltpu
from jax.experimental.pallas import tpu_sc as plsc

NUM_CORES = 2
NUM_SUBCORES = 16
NUM_WORKERS = NUM_CORES * NUM_SUBCORES


NBUF = 4
LOOKAHEAD = 2


@functools.partial(jax.jit, static_argnums=(2, 3, 4))
def _gather_rows(idx, table, B, D, chunk):
    b_per_w = B // NUM_WORKERS
    n_chunks = b_per_w // chunk
    assert n_chunks >= NBUF and n_chunks % NBUF == 0
    mesh = plsc.VectorSubcoreMesh(core_axis_name="c", subcore_axis_name="s")

    @functools.partial(
        pl.kernel,
        mesh=mesh,
        out_type=jax.ShapeDtypeStruct((B, D), jnp.float32),
        scratch_types=[
            pltpu.VMEM((b_per_w,), jnp.int32),
            pltpu.VMEM((NBUF, chunk, D), jnp.float32),
        ]
        + [pltpu.SemaphoreType.DMA] * (2 * NBUF),
    )
    def k(idx_hbm, table_hbm, out_hbm, idx_v, bufs, *sems):
        gsems, ssems = sems[:NBUF], sems[NBUF:]
        wid = lax.axis_index("s") * NUM_CORES + lax.axis_index("c")
        base = wid * b_per_w

        pltpu.sync_copy(idx_hbm.at[pl.ds(base, b_per_w)], idx_v)

        def gather_desc(i, b):
            return pltpu.make_async_copy(
                table_hbm.at[idx_v.at[pl.ds(i * chunk, chunk)]],
                bufs.at[b],
                gsems[b],
            )

        def store_desc(i, b):
            return pltpu.make_async_copy(
                bufs.at[b],
                out_hbm.at[pl.ds(base + i * chunk, chunk)],
                ssems[b],
            )

        for j in range(LOOKAHEAD):
            gather_desc(j, j).start()

        def body(it, carry):
            g = it * NBUF
            for b in range(NBUF):
                i = g + b
                gather_desc(i, b).wait()
                store_desc(i, b).start()

                j = i + LOOKAHEAD
                bj = (b + LOOKAHEAD) % NBUF

                @pl.when(j < n_chunks)
                def _():
                    @pl.when(j >= NBUF)
                    def _():
                        store_desc(j - NBUF, bj).wait()

                    gather_desc(j, bj).start()

            return carry

        lax.fori_loop(0, n_chunks // NBUF, body, 0)
        for b in range(NBUF):
            i_last = n_chunks - NBUF + b
            store_desc(i_last, (i_last % NBUF)).wait()

    return k(idx, table)


def kernel(position_ids, pos_embed):
    b, s = position_ids.shape
    d = pos_embed.shape[1]
    idx = position_ids.reshape(b * s).astype(jnp.int32)
    out = _gather_rows(idx, pos_embed, b * s, d, 32)
    return out.reshape(b, s, d)

# --- scband reference (transcript-rebuilt; emitter-appended) ---
"""Pipeline reference for scband-position-embedding-42528766165315 (READ-ONLY COPY).

The authoritative reference and input builder live on the scoring server;
editing this copy changes nothing except your own understanding.
"""

import jax, jax.numpy as jnp
import numpy as np


def get_1d_sincos_pos_embed_from_grid(embed_dim, pos):
    assert embed_dim % 2 == 0
    omega = np.arange(embed_dim // 2, dtype=np.float64)
    omega /= embed_dim / 2.0
    omega = 1.0 / 10000 ** omega
    pos = pos.reshape(-1)
    out = np.einsum('m,d->md', pos, omega)
    emb_sin = np.sin(out)
    emb_cos = np.cos(out)
    return np.concatenate([emb_sin, emb_cos], axis=1)


def get_2d_sincos_pos_embed_from_grid(embed_dim, grid):
    assert embed_dim % 2 == 0
    emb_h = get_1d_sincos_pos_embed_from_grid(embed_dim // 2, grid[0])
    emb_w = get_1d_sincos_pos_embed_from_grid(embed_dim // 2, grid[1])
    return np.concatenate([emb_h, emb_w], axis=1)


def get_2d_sincos_pos_embed(embed_dim, grid_size, pe_interpolation=1.0):
    grid_h = np.arange(grid_size, dtype=np.float32) / pe_interpolation
    grid_w = np.arange(grid_size, dtype=np.float32) / pe_interpolation
    grid = np.meshgrid(grid_w, grid_h)
    grid = np.stack(grid, axis=0)
    grid = grid.reshape([2, 1, grid_size, grid_size])
    return get_2d_sincos_pos_embed_from_grid(embed_dim, grid)


MAX_NUM_PATCH_PER_SIDE = 32
HIDDEN_SIZE = 768
BATCH = 64
SEQ = 1024


def setup_inputs(seed: int = 0) -> dict:
    key = jax.random.key(seed)
    k_idx = jax.random.fold_in(key, 1)
    position_ids = jax.random.randint(
        k_idx, (BATCH, SEQ), 0, MAX_NUM_PATCH_PER_SIDE ** 2)
    pos_embed_np = get_2d_sincos_pos_embed(HIDDEN_SIZE, MAX_NUM_PATCH_PER_SIDE)
    pos_embed = jnp.asarray(pos_embed_np, dtype=jnp.float32)
    return {"position_ids": position_ids, "pos_embed": pos_embed}


def reference(position_ids, pos_embed):
    # Faithful translation of PositionEmbedding.forward: self.pos_embed[position_ids]
    return jnp.take(pos_embed, position_ids, axis=0)

if __name__ == "__main__":
    import jax
    _d = setup_inputs()
    print(jax.jit(kernel)(*tuple(_d.values())))

</pallas_src>

<mosaic_0001>
#map = affine_map<(d0, d1) -> (0)>
#map1 = affine_map<(d0, d1) -> (0, 0)>
module attributes {stable_mosaic.version = 14 : i64} {
  func.func @k(%arg0: i32, %arg1: i32, %arg2: memref<65536xi32, #tpu.memory_space<hbm>>, %arg3: memref<1024x768xf32, #tpu.memory_space<hbm>>, %arg4: memref<65536x768xf32, #tpu.memory_space<hbm>>, %arg5: memref<2048xi32, #tpu.memory_space<vmem>>, %arg6: memref<4x32x768xf32, #tpu.memory_space<vmem>>, %arg7: memref<!tpu.dma_semaphore, #tpu.memory_space<semaphore_mem>>, %arg8: memref<!tpu.dma_semaphore, #tpu.memory_space<semaphore_mem>>, %arg9: memref<!tpu.dma_semaphore, #tpu.memory_space<semaphore_mem>>, %arg10: memref<!tpu.dma_semaphore, #tpu.memory_space<semaphore_mem>>, %arg11: memref<!tpu.dma_semaphore, #tpu.memory_space<semaphore_mem>>, %arg12: memref<!tpu.dma_semaphore, #tpu.memory_space<semaphore_mem>>, %arg13: memref<!tpu.dma_semaphore, #tpu.memory_space<semaphore_mem>>, %arg14: memref<!tpu.dma_semaphore, #tpu.memory_space<semaphore_mem>>) attributes {dimension_semantics = [#tpu.dimension_semantics<core_parallel>, #tpu.dimension_semantics<subcore_parallel>], iteration_bounds = array<i64: 2, 16>, scalar_prefetch = 0 : i64, scratch_operands = 10 : i64, tpu.core_type = #tpu.core_type<sc_vector_subcore>, window_params = [{transform_indices = #map}, {transform_indices = #map1}, {transform_indices = #map1}]} {
    %mul3A = arith.constant 2 : i32
    %mul3A_0 = arith.muli %arg1, %mul3A : i32
    %add3A = arith.addi %mul3A_0, %arg0 : i32
    %mul3A_1 = arith.constant 2048 : i32
    %mul3A_2 = arith.muli %add3A, %mul3A_1 : i32
    "tpu.region"() ({
      %run_scoped3A = tpu.sem_alloc : memref<!tpu.dma_semaphore, #tpu.memory_space<semaphore_mem>>
      %dma_start3A_86 = tpu.memref_slice %arg2[%mul3A_2] : memref<65536xi32, #tpu.memory_space<hbm>> -> memref<2048xi32, #tpu.memory_space<hbm>>
      %dma_start3A_87 = tpu.memref_slice %arg2[%mul3A_2] : memref<65536xi32, #tpu.memory_space<hbm>> -> memref<2048xi32, #tpu.memory_space<hbm>>
      tpu.enqueue_dma source(%dma_start3A_87 : memref<2048xi32, #tpu.memory_space<hbm>>) target(%arg5 : memref<2048xi32, #tpu.memory_space<vmem>>) target_semaphore(%run_scoped3A : memref<!tpu.dma_semaphore, #tpu.memory_space<semaphore_mem>>)
      %dma_wait3A_88 = tpu.memref_slice %arg2[%mul3A_2] : memref<65536xi32, #tpu.memory_space<hbm>> -> memref<2048xi32, #tpu.memory_space<hbm>>
      %dma_wait3A_89 = tpu.memref_slice %arg2[%mul3A_2] : memref<65536xi32, #tpu.memory_space<hbm>> -> memref<2048xi32, #tpu.memory_space<hbm>>
      tpu.wait_dma2 semaphore(%run_scoped3A : memref<!tpu.dma_semaphore, #tpu.memory_space<semaphore_mem>>) src(%dma_wait3A_89 : memref<2048xi32, #tpu.memory_space<hbm>>) dst(%arg5 : memref<2048xi32, #tpu.memory_space<vmem>>)
      tpu.yield
    }) : () -> ()
    %dma_start3A = arith.constant 0 : i32
    %dma_start3A_3 = arith.constant 0 : i32
    %dma_start3A_4 = arith.constant 0 : i32
    %dma_start3A_5 = tpu.memref_slice %arg6[%dma_start3A, %dma_start3A_3, %dma_start3A_4] : memref<4x32x768xf32, #tpu.memory_space<vmem>> -> memref<1x32x768xf32, #tpu.memory_space<vmem>>
    %dma_start3A_6 = tpu.memref_squeeze %dma_start3A_5 : memref<1x32x768xf32, #tpu.memory_space<vmem>> -> memref<32x768xf32, #tpu.memory_space<vmem>>
    %dma_start3A_7 = arith.constant 0 : i32
    %dma_start3A_8 = tpu.memref_slice %arg5[%dma_start3A_7] : memref<2048xi32, #tpu.memory_space<vmem>> -> memref<32xi32, #tpu.memory_space<vmem>>
    %dma_start3A_9 = arith.constant 0 : i32
    %dma_start3A_10 = arith.constant 0 : i32
    %dma_start3A_11 = tpu.memref_slice %arg3[%dma_start3A_9, %dma_start3A_10] : memref<1024x768xf32, #tpu.memory_space<hbm>> -> memref<1024x768xf32, #tpu.memory_space<hbm>>
    tpu.enqueue_indirect_dma source(%dma_start3A_11 : memref<1024x768xf32, #tpu.memory_space<hbm>>) target(%dma_start3A_6 : memref<32x768xf32, #tpu.memory_space<vmem>>) offsets(%dma_start3A_8 : memref<32xi32, #tpu.memory_space<vmem>>) semaphore(%arg7 : memref<!tpu.dma_semaphore, #tpu.memory_space<semaphore_mem>>)
    %dma_start3A_12 = arith.constant 1 : i32
    %dma_start3A_13 = arith.constant 0 : i32
    %dma_start3A_14 = arith.constant 0 : i32
    %dma_start3A_15 = tpu.memref_slice %arg6[%dma_start3A_12, %dma_start3A_13, %dma_start3A_14] : memref<4x32x768xf32, #tpu.memory_space<vmem>> -> memref<1x32x768xf32, #tpu.memory_space<vmem>>
    %dma_start3A_16 = tpu.memref_squeeze %dma_start3A_15 : memref<1x32x768xf32, #tpu.memory_space<vmem>> -> memref<32x768xf32, #tpu.memory_space<vmem>>
    %dma_start3A_17 = arith.constant 32 : i32
    %dma_start3A_18 = tpu.memref_slice %arg5[%dma_start3A_17] : memref<2048xi32, #tpu.memory_space<vmem>> -> memref<32xi32, #tpu.memory_space<vmem>>
    %dma_start3A_19 = arith.constant 0 : i32
    %dma_start3A_20 = arith.constant 0 : i32
    %dma_start3A_21 = tpu.memref_slice %arg3[%dma_start3A_19, %dma_start3A_20] : memref<1024x768xf32, #tpu.memory_space<hbm>> -> memref<1024x768xf32, #tpu.memory_space<hbm>>
    tpu.enqueue_indirect_dma source(%dma_start3A_21 : memref<1024x768xf32, #tpu.memory_space<hbm>>) target(%dma_start3A_16 : memref<32x768xf32, #tpu.memory_space<vmem>>) offsets(%dma_start3A_18 : memref<32xi32, #tpu.memory_space<vmem>>) semaphore(%arg8 : memref<!tpu.dma_semaphore, #tpu.memory_space<semaphore_mem>>)
    %scan3A = arith.constant 0 : i32
    %scan3A_22 = arith.constant 0 : i32
    %scan3A_23 = arith.constant 16 : i32
    %scan3A_24 = arith.addi %scan3A_22, %scan3A_23 : i32
    %scan3A_25 = arith.constant 1 : i32
    scf.for %scan3A_86 = %scan3A_22 to %scan3A_24 step %scan3A_25  : i32 {
      %mul3A_87 = arith.constant 4 : i32
      %mul3A_88 = arith.muli %scan3A_86, %mul3A_87 : i32
      %add3A_89 = arith.constant 0 : i32
      %add3A_90 = arith.addi %mul3A_88, %add3A_89 : i32
      %mul3A_91 = arith.constant 32 : i32
      %mul3A_92 = arith.muli %add3A_90, %mul3A_91 : i32
      %dma_wait3A_93 = arith.constant 0 : i32
      %dma_wait3A_94 = arith.constant 0 : i32
      %dma_wait3A_95 = arith.constant 0 : i32
      %dma_wait3A_96 = tpu.memref_slice %arg6[%dma_wait3A_93, %dma_wait3A_94, %dma_wait3A_95] : memref<4x32x768xf32, #tpu.memory_space<vmem>> -> memref<1x32x768xf32, #tpu.memory_space<vmem>>
      %dma_wait3A_97 = tpu.memref_squeeze %dma_wait3A_96 : memref<1x32x768xf32, #tpu.memory_space<vmem>> -> memref<32x768xf32, #tpu.memory_space<vmem>>
      %dma_wait3A_98 = tpu.memref_slice %arg5[%mul3A_92] : memref<2048xi32, #tpu.memory_space<vmem>> -> memref<32xi32, #tpu.memory_space<vmem>>
      %dma_wait3A_99 = arith.constant 0 : i32
      %dma_wait3A_100 = arith.constant 0 : i32
      %dma_wait3A_101 = tpu.memref_slice %arg3[%dma_wait3A_99, %dma_wait3A_100] : memref<1024x768xf32, #tpu.memory_space<hbm>> -> memref<1024x768xf32, #tpu.memory_space<hbm>>
      tpu.wait_indirect_dma semaphore(%arg7 : memref<!tpu.dma_semaphore, #tpu.memory_space<semaphore_mem>>) src(%dma_wait3A_101 : memref<1024x768xf32, #tpu.memory_space<hbm>>) dst(%dma_wait3A_97 : memref<32x768xf32, #tpu.memory_space<vmem>>)
      %mul3A_102 = arith.constant 32 : i32
      %mul3A_103 = arith.muli %add3A_90, %mul3A_102 : i32
      %add3A_104 = arith.addi %mul3A_2, %mul3A_103 : i32
      %dma_start3A_105 = arith.constant 0 : i32
      %dma_start3A_106 = arith.constant 0 : i32
      %dma_start3A_107 = arith.constant 0 : i32
      %dma_start3A_108 = tpu.memref_slice %arg6[%dma_start3A_105, %dma_start3A_106, %dma_start3A_107] : memref<4x32x768xf32, #tpu.memory_space<vmem>> -> memref<1x32x768xf32, #tpu.memory_space<vmem>>
      %dma_start3A_109 = tpu.memref_squeeze %dma_start3A_108 : memref<1x32x768xf32, #tpu.memory_space<vmem>> -> memref<32x768xf32, #tpu.memory_space<vmem>>
      %dma_start3A_110 = arith.constant 0 : i32
      %dma_start3A_111 = tpu.memref_slice %arg4[%add3A_104, %dma_start3A_110] : memref<65536x768xf32, #tpu.memory_space<hbm>> -> memref<32x768xf32, #tpu.memory_space<hbm>>
      %dma_start3A_112 = arith.constant 0 : i32
      %dma_start3A_113 = tpu.memref_slice %arg4[%add3A_104, %dma_start3A_112] : memref<65536x768xf32, #tpu.memory_space<hbm>> -> memref<32x768xf32, #tpu.memory_space<hbm>>
      %dma_start3A_114 = arith.constant 0 : i32
      %dma_start3A_115 = arith.constant 0 : i32
      %dma_start3A_116 = tpu.memref_slice %arg6[%dma_start3A_105, %dma_start3A_114, %dma_start3A_115] : memref<4x32x768xf32, #tpu.memory_space<vmem>> -> memref<1x32x768xf32, #tpu.memory_space<vmem>>
      %dma_start3A_117 = tpu.memref_squeeze %dma_start3A_116 : memref<1x32x768xf32, #tpu.memory_space<vmem>> -> memref<32x768xf32, #tpu.memory_space<vmem>>
      tpu.enqueue_dma source(%dma_start3A_117 : memref<32x768xf32, #tpu.memory_space<vmem>>) target(%dma_start3A_113 : memref<32x768xf32, #tpu.memory_space<hbm>>) target_semaphore(%arg11 : memref<!tpu.dma_semaphore, #tpu.memory_space<semaphore_mem>>)
      %add3A_118 = arith.constant 2 : i32
      %add3A_119 = arith.addi %add3A_90, %add3A_118 : i32
      %lt3A = arith.constant 64 : i32
      %lt3A_120 = arith.cmpi slt, %add3A_119, %lt3A : i32
      %convert_element_type3A = arith.extui %lt3A_120 : i1 to i32
      %cond3A = arith.constant 0 : i32
      %cond3A_121 = arith.cmpi ne, %convert_element_type3A, %cond3A : i32
      scf.if %cond3A_121 {
        %ge3A = arith.constant 4 : i32
        %ge3A_230 = arith.cmpi sge, %add3A_119, %ge3A : i32
        %convert_element_type3A_231 = arith.extui %ge3A_230 : i1 to i32
        %cond3A_232 = arith.constant 0 : i32
        %cond3A_233 = arith.cmpi ne, %convert_element_type3A_231, %cond3A_232 : i32
        scf.if %cond3A_233 {
          %sub3A = arith.constant 4 : i32
          %sub3A_245 = arith.subi %add3A_119, %sub3A : i32
          %mul3A_246 = arith.constant 32 : i32
          %mul3A_247 = arith.muli %sub3A_245, %mul3A_246 : i32
          %add3A_248 = arith.addi %mul3A_2, %mul3A_247 : i32
          %dma_wait3A_249 = arith.constant 2 : i32
          %dma_wait3A_250 = arith.constant 0 : i32
          %dma_wait3A_251 = arith.constant 0 : i32
          %dma_wait3A_252 = tpu.memref_slice %arg6[%dma_wait3A_249, %dma_wait3A_250, %dma_wait3A_251] : memref<4x32x768xf32, #tpu.memory_space<vmem>> -> memref<1x32x768xf32, #tpu.memory_space<vmem>>
          %dma_wait3A_253 = tpu.memref_squeeze %dma_wait3A_252 : memref<1x32x768xf32, #tpu.memory_space<vmem>> -> memref<32x768xf32, #tpu.memory_space<vmem>>
          %dma_wait3A_254 = arith.constant 0 : i32
          %dma_wait3A_255 = tpu.memref_slice %arg4[%add3A_248, %dma_wait3A_254] : memref<65536x768xf32, #tpu.memory_space<hbm>> -> memref<32x768xf32, #tpu.memory_space<hbm>>
          %dma_wait3A_256 = arith.constant 0 : i32
          %dma_wait3A_257 = tpu.memref_slice %arg4[%add3A_248, %dma_wait3A_256] : memref<65536x768xf32, #tpu.memory_space<hbm>> -> memref<32x768xf32, #tpu.memory_space<hbm>>
          %dma_wait3A_258 = arith.constant 0 : i32
          %dma_wait3A_259 = arith.constant 0 : i32
          %dma_wait3A_260 = tpu.memref_slice %arg6[%dma_wait3A_249, %dma_wait3A_258, %dma_wait3A_259] : memref<4x32x768xf32, #tpu.memory_space<vmem>> -> memref<1x32x768xf32, #tpu.memory_space<vmem>>
          %dma_wait3A_261 = tpu.memref_squeeze %dma_wait3A_260 : memref<1x32x768xf32, #tpu.memory_space<vmem>> -> memref<32x768xf32, #tpu.memory_space<vmem>>
          tpu.wait_dma2 semaphore(%arg13 : memref<!tpu.dma_semaphore, #tpu.memory_space<semaphore_mem>>) src(%dma_wait3A_261 : memref<32x768xf32, #tpu.memory_space<vmem>>) dst(%dma_wait3A_257 : memref<32x768xf32, #tpu.memory_space<hbm>>)
        } else {
        }
        %mul3A_234 = arith.constant 32 : i32
        %mul3A_235 = arith.muli %add3A_119, %mul3A_234 : i32
        %dma_start3A_236 = arith.constant 2 : i32
        %dma_start3A_237 = arith.constant 0 : i32
        %dma_start3A_238 = arith.constant 0 : i32
        %dma_start3A_239 = tpu.memref_slice %arg6[%dma_start3A_236, %dma_start3A_237, %dma_start3A_238] : memref<4x32x768xf32, #tpu.memory_space<vmem>> -> memref<1x32x768xf32, #tpu.memory_space<vmem>>
        %dma_start3A_240 = tpu.memref_squeeze %dma_start3A_239 : memref<1x32x768xf32, #tpu.memory_space<vmem>> -> memref<32x768xf32, #tpu.memory_space<vmem>>
        %dma_start3A_241 = tpu.memref_slice %arg5[%mul3A_235] : memref<2048xi32, #tpu.memory_space<vmem>> -> memref<32xi32, #tpu.memory_space<vmem>>
        %dma_start3A_242 = arith.constant 0 : i32
        %dma_start3A_243 = arith.constant 0 : i32
        %dma_start3A_244 = tpu.memref_slice %arg3[%dma_start3A_242, %dma_start3A_243] : memref<1024x768xf32, #tpu.memory_space<hbm>> -> memref<1024x768xf32, #tpu.memory_space<hbm>>
        tpu.enqueue_indirect_dma source(%dma_start3A_244 : memref<1024x768xf32, #tpu.memory_space<hbm>>) target(%dma_start3A_240 : memref<32x768xf32, #tpu.memory_space<vmem>>) offsets(%dma_start3A_241 : memref<32xi32, #tpu.memory_space<vmem>>) semaphore(%arg9 : memref<!tpu.dma_semaphore, #tpu.memory_space<semaphore_mem>>)
      } else {
      }
      %add3A_122 = arith.constant 1 : i32
      %add3A_123 = arith.addi %mul3A_88, %add3A_122 : i32
      %mul3A_124 = arith.constant 32 : i32
      %mul3A_125 = arith.muli %add3A_123, %mul3A_124 : i32
      %dma_wait3A_126 = arith.constant 1 : i32
      %dma_wait3A_127 = arith.constant 0 : i32
      %dma_wait3A_128 = arith.constant 0 : i32
      %dma_wait3A_129 = tpu.memref_slice %arg6[%dma_wait3A_126, %dma_wait3A_127, %dma_wait3A_128] : memref<4x32x768xf32, #tpu.memory_space<vmem>> -> memref<1x32x768xf32, #tpu.memory_space<vmem>>
      %dma_wait3A_130 = tpu.memref_squeeze %dma_wait3A_129 : memref<1x32x768xf32, #tpu.memory_space<vmem>> -> memref<32x768xf32, #tpu.memory_space<vmem>>
      %dma_wait3A_131 = tpu.memref_slice %arg5[%mul3A_125] : memref<2048xi32, #tpu.memory_space<vmem>> -> memref<32xi32, #tpu.memory_space<vmem>>
      %dma_wait3A_132 = arith.constant 0 : i32
      %dma_wait3A_133 = arith.constant 0 : i32
      %dma_wait3A_134 = tpu.memref_slice %arg3[%dma_wait3A_132, %dma_wait3A_133] : memref<1024x768xf32, #tpu.memory_space<hbm>> -> memref<1024x768xf32, #tpu.memory_space<hbm>>
      tpu.wait_indirect_dma semaphore(%arg8 : memref<!tpu.dma_semaphore, #tpu.memory_space<semaphore_mem>>) src(%dma_wait3A_134 : memref<1024x768xf32, #tpu.memory_space<hbm>>) dst(%dma_wait3A_130 : memref<32x768xf32, #tpu.memory_space<vmem>>)
      %mul3A_135 = arith.constant 32 : i32
      %mul3A_136 = arith.muli %add3A_123, %mul3A_135 : i32
      %add3A_137 = arith.addi %mul3A_2, %mul3A_136 : i32
      %dma_start3A_138 = arith.constant 1 : i32
      %dma_start3A_139 = arith.constant 0 : i32
      %dma_start3A_140 = arith.constant 0 : i32
      %dma_start3A_141 = tpu.memref_slice %arg6[%dma_start3A_138, %dma_start3A_139, %dma_start3A_140] : memref<4x32x768xf32, #tpu.memory_space<vmem>> -> memref<1x32x768xf32, #tpu.memory_space<vmem>>
      %dma_start3A_142 = tpu.memref_squeeze %dma_start3A_141 : memref<1x32x768xf32, #tpu.memory_space<vmem>> -> memref<32x768xf32, #tpu.memory_space<vmem>>
      %dma_start3A_143 = arith.constant 0 : i32
      %dma_start3A_144 = tpu.memref_slice %arg4[%add3A_137, %dma_start3A_143] : memref<65536x768xf32, #tpu.memory_space<hbm>> -> memref<32x768xf32, #tpu.memory_space<hbm>>
      %dma_start3A_145 = arith.constant 0 : i32
      %dma_start3A_146 = tpu.memref_slice %arg4[%add3A_137, %dma_start3A_145] : memref<65536x768xf32, #tpu.memory_space<hbm>> -> memref<32x768xf32, #tpu.memory_space<hbm>>
      %dma_start3A_147 = arith.constant 0 : i32
      %dma_start3A_148 = arith.constant 0 : i32
      %dma_start3A_149 = tpu.memref_slice %arg6[%dma_start3A_138, %dma_start3A_147, %dma_start3A_148] : memref<4x32x768xf32, #tpu.memory_space<vmem>> -> memref<1x32x768xf32, #tpu.memory_space<vmem>>
      %dma_start3A_150 = tpu.memref_squeeze %dma_start3A_149 : memref<1x32x768xf32, #tpu.memory_space<vmem>> -> memref<32x768xf32, #tpu.memory_space<vmem>>
      tpu.enqueue_dma source(%dma_start3A_150 : memref<32x768xf32, #tpu.memory_space<vmem>>) target(%dma_start3A_146 : memref<32x768xf32, #tpu.memory_space<hbm>>) target_semaphore(%arg12 : memref<!tpu.dma_semaphore, #tpu.memory_space<semaphore_mem>>)
      %add3A_151 = arith.constant 2 : i32
      %add3A_152 = arith.addi %add3A_123, %add3A_151 : i32
      %lt3A_153 = arith.constant 64 : i32
      %lt3A_154 = arith.cmpi slt, %add3A_152, %lt3A_153 : i32
      %convert_element_type3A_155 = arith.extui %lt3A_154 : i1 to i32
      %cond3A_156 = arith.constant 0 : i32
      %cond3A_157 = arith.cmpi ne, %convert_element_type3A_155, %cond3A_156 : i32
      scf.if %cond3A_157 {
        %ge3A = arith.constant 4 : i32
        %ge3A_230 = arith.cmpi sge, %add3A_152, %ge3A : i32
        %convert_element_type3A_231 = arith.extui %ge3A_230 : i1 to i32
        %cond3A_232 = arith.constant 0 : i32
        %cond3A_233 = arith.cmpi ne, %convert_element_type3A_231, %cond3A_232 : i32
        scf.if %cond3A_233 {
          %sub3A = arith.constant 4 : i32
          %sub3A_245 = arith.subi %add3A_152, %sub3A : i32
          %mul3A_246 = arith.constant 32 : i32
          %mul3A_247 = arith.muli %sub3A_245, %mul3A_246 : i32
          %add3A_248 = arith.addi %mul3A_2, %mul3A_247 : i32
          %dma_wait3A_249 = arith.constant 3 : i32
          %dma_wait3A_250 = arith.constant 0 : i32
          %dma_wait3A_251 = arith.constant 0 : i32
          %dma_wait3A_252 = tpu.memref_slice %arg6[%dma_wait3A_249, %dma_wait3A_250, %dma_wait3A_251] : memref<4x32x768xf32, #tpu.memory_space<vmem>> -> memref<1x32x768xf32, #tpu.memory_space<vmem>>
          %dma_wait3A_253 = tpu.memref_squeeze %dma_wait3A_252 : memref<1x32x768xf32, #tpu.memory_space<vmem>> -> memref<32x768xf32, #tpu.memory_space<vmem>>
          %dma_wait3A_254 = arith.constant 0 : i32
          %dma_wait3A_255 = tpu.memref_slice %arg4[%add3A_248, %dma_wait3A_254] : memref<65536x768xf32, #tpu.memory_space<hbm>> -> memref<32x768xf32, #tpu.memory_space<hbm>>
          %dma_wait3A_256 = arith.constant 0 : i32
          %dma_wait3A_257 = tpu.memref_slice %arg4[%add3A_248, %dma_wait3A_256] : memref<65536x768xf32, #tpu.memory_space<hbm>> -> memref<32x768xf32, #tpu.memory_space<hbm>>
          %dma_wait3A_258 = arith.constant 0 : i32
          %dma_wait3A_259 = arith.constant 0 : i32
          %dma_wait3A_260 = tpu.memref_slice %arg6[%dma_wait3A_249, %dma_wait3A_258, %dma_wait3A_259] : memref<4x32x768xf32, #tpu.memory_space<vmem>> -> memref<1x32x768xf32, #tpu.memory_space<vmem>>
          %dma_wait3A_261 = tpu.memref_squeeze %dma_wait3A_260 : memref<1x32x768xf32, #tpu.memory_space<vmem>> -> memref<32x768xf32, #tpu.memory_space<vmem>>
          tpu.wait_dma2 semaphore(%arg14 : memref<!tpu.dma_semaphore, #tpu.memory_space<semaphore_mem>>) src(%dma_wait3A_261 : memref<32x768xf32, #tpu.memory_space<vmem>>) dst(%dma_wait3A_257 : memref<32x768xf32, #tpu.memory_space<hbm>>)
        } else {
        }
        %mul3A_234 = arith.constant 32 : i32
        %mul3A_235 = arith.muli %add3A_152, %mul3A_234 : i32
        %dma_start3A_236 = arith.constant 3 : i32
        %dma_start3A_237 = arith.constant 0 : i32
        %dma_start3A_238 = arith.constant 0 : i32
        %dma_start3A_239 = tpu.memref_slice %arg6[%dma_start3A_236, %dma_start3A_237, %dma_start3A_238] : memref<4x32x768xf32, #tpu.memory_space<vmem>> -> memref<1x32x768xf32, #tpu.memory_space<vmem>>
        %dma_start3A_240 = tpu.memref_squeeze %dma_start3A_239 : memref<1x32x768xf32, #tpu.memory_space<vmem>> -> memref<32x768xf32, #tpu.memory_space<vmem>>
        %dma_start3A_241 = tpu.memref_slice %arg5[%mul3A_235] : memref<2048xi32, #tpu.memory_space<vmem>> -> memref<32xi32, #tpu.memory_space<vmem>>
        %dma_start3A_242 = arith.constant 0 : i32
        %dma_start3A_243 = arith.constant 0 : i32
        %dma_start3A_244 = tpu.memref_slice %arg3[%dma_start3A_242, %dma_start3A_243] : memref<1024x768xf32, #tpu.memory_space<hbm>> -> memref<1024x768xf32, #tpu.memory_space<hbm>>
        tpu.enqueue_indirect_dma source(%dma_start3A_244 : memref<1024x768xf32, #tpu.memory_space<hbm>>) target(%dma_start3A_240 : memref<32x768xf32, #tpu.memory_space<vmem>>) offsets(%dma_start3A_241 : memref<32xi32, #tpu.memory_space<vmem>>) semaphore(%arg10 : memref<!tpu.dma_semaphore, #tpu.memory_space<semaphore_mem>>)
      } else {
      }
      %add3A_158 = arith.constant 2 : i32
      %add3A_159 = arith.addi %mul3A_88, %add3A_158 : i32
      %mul3A_160 = arith.constant 32 : i32
      %mul3A_161 = arith.muli %add3A_159, %mul3A_160 : i32
      %dma_wait3A_162 = arith.constant 2 : i32
      %dma_wait3A_163 = arith.constant 0 : i32
      %dma_wait3A_164 = arith.constant 0 : i32
      %dma_wait3A_165 = tpu.memref_slice %arg6[%dma_wait3A_162, %dma_wait3A_163, %dma_wait3A_164] : memref<4x32x768xf32, #tpu.memory_space<vmem>> -> memref<1x32x768xf32, #tpu.memory_space<vmem>>
      %dma_wait3A_166 = tpu.memref_squeeze %dma_wait3A_165 : memref<1x32x768xf32, #tpu.memory_space<vmem>> -> memref<32x768xf32, #tpu.memory_space<vmem>>
      %dma_wait3A_167 = tpu.memref_slice %arg5[%mul3A_161] : memref<2048xi32, #tpu.memory_space<vmem>> -> memref<32xi32, #tpu.memory_space<vmem>>
      %dma_wait3A_168 = arith.constant 0 : i32
      %dma_wait3A_169 = arith.constant 0 : i32
      %dma_wait3A_170 = tpu.memref_slice %arg3[%dma_wait3A_168, %dma_wait3A_169] : memref<1024x768xf32, #tpu.memory_space<hbm>> -> memref<1024x768xf32, #tpu.memory_space<hbm>>
      tpu.wait_indirect_dma semaphore(%arg9 : memref<!tpu.dma_semaphore, #tpu.memory_space<semaphore_mem>>) src(%dma_wait3A_170 : memref<1024x768xf32, #tpu.memory_space<hbm>>) dst(%dma_wait3A_166 : memref<32x768xf32, #tpu.memory_space<vmem>>)
      %mul3A_171 = arith.constant 32 : i32
      %mul3A_172 = arith.muli %add3A_159, %mul3A_171 : i32
      %add3A_173 = arith.addi %mul3A_2, %mul3A_172 : i32
      %dma_start3A_174 = arith.constant 2 : i32
      %dma_start3A_175 = arith.constant 0 : i32
      %dma_start3A_176 = arith.constant 0 : i32
      %dma_start3A_177 = tpu.memref_slice %arg6[%dma_start3A_174, %dma_start3A_175, %dma_start3A_176] : memref<4x32x768xf32, #tpu.memory_space<vmem>> -> memref<1x32x768xf32, #tpu.memory_space<vmem>>
      %dma_start3A_178 = tpu.memref_squeeze %dma_start3A_177 : memref<1x32x768xf32, #tpu.memory_space<vmem>> -> memref<32x768xf32, #tpu.memory_space<vmem>>
      %dma_start3A_179 = arith.constant 0 : i32
      %dma_start3A_180 = tpu.memref_slice %arg4[%add3A_173, %dma_start3A_179] : memref<65536x768xf32, #tpu.memory_space<hbm>> -> memref<32x768xf32, #tpu.memory_space<hbm>>
      %dma_start3A_181 = arith.constant 0 : i32
      %dma_start3A_182 = tpu.memref_slice %arg4[%add3A_173, %dma_start3A_181] : memref<65536x768xf32, #tpu.memory_space<hbm>> -> memref<32x768xf32, #tpu.memory_space<hbm>>
      %dma_start3A_183 = arith.constant 0 : i32
      %dma_start3A_184 = arith.constant 0 : i32
      %dma_start3A_185 = tpu.memref_slice %arg6[%dma_start3A_174, %dma_start3A_183, %dma_start3A_184] : memref<4x32x768xf32, #tpu.memory_space<vmem>> -> memref<1x32x768xf32, #tpu.memory_space<vmem>>
      %dma_start3A_186 = tpu.memref_squeeze %dma_start3A_185 : memref<1x32x768xf32, #tpu.memory_space<vmem>> -> memref<32x768xf32, #tpu.memory_space<vmem>>
      tpu.enqueue_dma source(%dma_start3A_186 : memref<32x768xf32, #tpu.memory_space<vmem>>) target(%dma_start3A_182 : memref<32x768xf32, #tpu.memory_space<hbm>>) target_semaphore(%arg13 : memref<!tpu.dma_semaphore, #tpu.memory_space<semaphore_mem>>)
      %add3A_187 = arith.constant 2 : i32
      %add3A_188 = arith.addi %add3A_159, %add3A_187 : i32
      %lt3A_189 = arith.constant 64 : i32
      %lt3A_190 = arith.cmpi slt, %add3A_188, %lt3A_189 : i32
      %convert_element_type3A_191 = arith.extui %lt3A_190 : i1 to i32
      %cond3A_192 = arith.constant 0 : i32
      %cond3A_193 = arith.cmpi ne, %convert_element_type3A_191, %cond3A_192 : i32
      scf.if %cond3A_193 {
        %ge3A = arith.constant 4 : i32
        %ge3A_230 = arith.cmpi sge, %add3A_188, %ge3A : i32
        %convert_element_type3A_231 = arith.extui %ge3A_230 : i1 to i32
        %cond3A_232 = arith.constant 0 : i32
        %cond3A_233 = arith.cmpi ne, %convert_element_type3A_231, %cond3A_232 : i32
        scf.if %cond3A_233 {
          %sub3A = arith.constant 4 : i32
          %sub3A_245 = arith.subi %add3A_188, %sub3A : i32
          %mul3A_246 = arith.constant 32 : i32
          %mul3A_247 = arith.muli %sub3A_245, %mul3A_246 : i32
          %add3A_248 = arith.addi %mul3A_2, %mul3A_247 : i32
          %dma_wait3A_249 = arith.constant 0 : i32
          %dma_wait3A_250 = arith.constant 0 : i32
          %dma_wait3A_251 = arith.constant 0 : i32
          %dma_wait3A_252 = tpu.memref_slice %arg6[%dma_wait3A_249, %dma_wait3A_250, %dma_wait3A_251] : memref<4x32x768xf32, #tpu.memory_space<vmem>> -> memref<1x32x768xf32, #tpu.memory_space<vmem>>
          %dma_wait3A_253 = tpu.memref_squeeze %dma_wait3A_252 : memref<1x32x768xf32, #tpu.memory_space<vmem>> -> memref<32x768xf32, #tpu.memory_space<vmem>>
          %dma_wait3A_254 = arith.constant 0 : i32
          %dma_wait3A_255 = tpu.memref_slice %arg4[%add3A_248, %dma_wait3A_254] : memref<65536x768xf32, #tpu.memory_space<hbm>> -> memref<32x768xf32, #tpu.memory_space<hbm>>
          %dma_wait3A_256 = arith.constant 0 : i32
          %dma_wait3A_257 = tpu.memref_slice %arg4[%add3A_248, %dma_wait3A_256] : memref<65536x768xf32, #tpu.memory_space<hbm>> -> memref<32x768xf32, #tpu.memory_space<hbm>>
          %dma_wait3A_258 = arith.constant 0 : i32
          %dma_wait3A_259 = arith.constant 0 : i32
          %dma_wait3A_260 = tpu.memref_slice %arg6[%dma_wait3A_249, %dma_wait3A_258, %dma_wait3A_259] : memref<4x32x768xf32, #tpu.memory_space<vmem>> -> memref<1x32x768xf32, #tpu.memory_space<vmem>>
          %dma_wait3A_261 = tpu.memref_squeeze %dma_wait3A_260 : memref<1x32x768xf32, #tpu.memory_space<vmem>> -> memref<32x768xf32, #tpu.memory_space<vmem>>
          tpu.wait_dma2 semaphore(%arg11 : memref<!tpu.dma_semaphore, #tpu.memory_space<semaphore_mem>>) src(%dma_wait3A_261 : memref<32x768xf32, #tpu.memory_space<vmem>>) dst(%dma_wait3A_257 : memref<32x768xf32, #tpu.memory_space<hbm>>)
        } else {
        }
        %mul3A_234 = arith.constant 32 : i32
        %mul3A_235 = arith.muli %add3A_188, %mul3A_234 : i32
        %dma_start3A_236 = arith.constant 0 : i32
        %dma_start3A_237 = arith.constant 0 : i32
        %dma_start3A_238 = arith.constant 0 : i32
        %dma_start3A_239 = tpu.memref_slice %arg6[%dma_start3A_236, %dma_start3A_237, %dma_start3A_238] : memref<4x32x768xf32, #tpu.memory_space<vmem>> -> memref<1x32x768xf32, #tpu.memory_space<vmem>>
        %dma_start3A_240 = tpu.memref_squeeze %dma_start3A_239 : memref<1x32x768xf32, #tpu.memory_space<vmem>> -> memref<32x768xf32, #tpu.memory_space<vmem>>
        %dma_start3A_241 = tpu.memref_slice %arg5[%mul3A_235] : memref<2048xi32, #tpu.memory_space<vmem>> -> memref<32xi32, #tpu.memory_space<vmem>>
        %dma_start3A_242 = arith.constant 0 : i32
        %dma_start3A_243 = arith.constant 0 : i32
        %dma_start3A_244 = tpu.memref_slice %arg3[%dma_start3A_242, %dma_start3A_243] : memref<1024x768xf32, #tpu.memory_space<hbm>> -> memref<1024x768xf32, #tpu.memory_space<hbm>>
        tpu.enqueue_indirect_dma source(%dma_start3A_244 : memref<1024x768xf32, #tpu.memory_space<hbm>>) target(%dma_start3A_240 : memref<32x768xf32, #tpu.memory_space<vmem>>) offsets(%dma_start3A_241 : memref<32xi32, #tpu.memory_space<vmem>>) semaphore(%arg7 : memref<!tpu.dma_semaphore, #tpu.memory_space<semaphore_mem>>)
      } else {
      }
      %add3A_194 = arith.constant 3 : i32
      %add3A_195 = arith.addi %mul3A_88, %add3A_194 : i32
      %mul3A_196 = arith.constant 32 : i32
      %mul3A_197 = arith.muli %add3A_195, %mul3A_196 : i32
      %dma_wait3A_198 = arith.constant 3 : i32
      %dma_wait3A_199 = arith.constant 0 : i32
      %dma_wait3A_200 = arith.constant 0 : i32
      %dma_wait3A_201 = tpu.memref_slice %arg6[%dma_wait3A_198, %dma_wait3A_199, %dma_wait3A_200] : memref<4x32x768xf32, #tpu.memory_space<vmem>> -> memref<1x32x768xf32, #tpu.memory_space<vmem>>
      %dma_wait3A_202 = tpu.memref_squeeze %dma_wait3A_201 : memref<1x32x768xf32, #tpu.memory_space<vmem>> -> memref<32x768xf32, #tpu.memory_space<vmem>>
      %dma_wait3A_203 = tpu.memref_slice %arg5[%mul3A_197] : memref<2048xi32, #tpu.memory_space<vmem>> -> memref<32xi32, #tpu.memory_space<vmem>>
      %dma_wait3A_204 = arith.constant 0 : i32
      %dma_wait3A_205 = arith.constant 0 : i32
      %dma_wait3A_206 = tpu.memref_slice %arg3[%dma_wait3A_204, %dma_wait3A_205] : memref<1024x768xf32, #tpu.memory_space<hbm>> -> memref<1024x768xf32, #tpu.memory_space<hbm>>
      tpu.wait_indirect_dma semaphore(%arg10 : memref<!tpu.dma_semaphore, #tpu.memory_space<semaphore_mem>>) src(%dma_wait3A_206 : memref<1024x768xf32, #tpu.memory_space<hbm>>) dst(%dma_wait3A_202 : memref<32x768xf32, #tpu.memory_space<vmem>>)
      %mul3A_207 = arith.constant 32 : i32
      %mul3A_208 = arith.muli %add3A_195, %mul3A_207 : i32
      %add3A_209 = arith.addi %mul3A_2, %mul3A_208 : i32
      %dma_start3A_210 = arith.constant 3 : i32
      %dma_start3A_211 = arith.constant 0 : i32
      %dma_start3A_212 = arith.constant 0 : i32
      %dma_start3A_213 = tpu.memref_slice %arg6[%dma_start3A_210, %dma_start3A_211, %dma_start3A_212] : memref<4x32x768xf32, #tpu.memory_space<vmem>> -> memref<1x32x768xf32, #tpu.memory_space<vmem>>
      %dma_start3A_214 = tpu.memref_squeeze %dma_start3A_213 : memref<1x32x768xf32, #tpu.memory_space<vmem>> -> memref<32x768xf32, #tpu.memory_space<vmem>>
      %dma_start3A_215 = arith.constant 0 : i32
      %dma_start3A_216 = tpu.memref_slice %arg4[%add3A_209, %dma_start3A_215] : memref<65536x768xf32, #tpu.memory_space<hbm>> -> memref<32x768xf32, #tpu.memory_space<hbm>>
      %dma_start3A_217 = arith.constant 0 : i32
      %dma_start3A_218 = tpu.memref_slice %arg4[%add3A_209, %dma_start3A_217] : memref<65536x768xf32, #tpu.memory_space<hbm>> -> memref<32x768xf32, #tpu.memory_space<hbm>>
      %dma_start3A_219 = arith.constant 0 : i32
      %dma_start3A_220 = arith.constant 0 : i32
      %dma_start3A_221 = tpu.memref_slice %arg6[%dma_start3A_210, %dma_start3A_219, %dma_start3A_220] : memref<4x32x768xf32, #tpu.memory_space<vmem>> -> memref<1x32x768xf32, #tpu.memory_space<vmem>>
      %dma_start3A_222 = tpu.memref_squeeze %dma_start3A_221 : memref<1x32x768xf32, #tpu.memory_space<vmem>> -> memref<32x768xf32, #tpu.memory_space<vmem>>
      tpu.enqueue_dma source(%dma_start3A_222 : memref<32x768xf32, #tpu.memory_space<vmem>>) target(%dma_start3A_218 : memref<32x768xf32, #tpu.memory_space<hbm>>) target_semaphore(%arg14 : memref<!tpu.dma_semaphore, #tpu.memory_space<semaphore_mem>>)
      %add3A_223 = arith.constant 2 : i32
      %add3A_224 = arith.addi %add3A_195, %add3A_223 : i32
      %lt3A_225 = arith.constant 64 : i32
      %lt3A_226 = arith.cmpi slt, %add3A_224, %lt3A_225 : i32
      %convert_element_type3A_227 = arith.extui %lt3A_226 : i1 to i32
      %cond3A_228 = arith.constant 0 : i32
      %cond3A_229 = arith.cmpi ne, %convert_element_type3A_227, %cond3A_228 : i32
      scf.if %cond3A_229 {
        %ge3A = arith.constant 4 : i32
        %ge3A_230 = arith.cmpi sge, %add3A_224, %ge3A : i32
        %convert_element_type3A_231 = arith.extui %ge3A_230 : i1 to i32
        %cond3A_232 = arith.constant 0 : i32
        %cond3A_233 = arith.cmpi ne, %convert_element_type3A_231, %cond3A_232 : i32
        scf.if %cond3A_233 {
          %sub3A = arith.constant 4 : i32
          %sub3A_245 = arith.subi %add3A_224, %sub3A : i32
          %mul3A_246 = arith.constant 32 : i32
          %mul3A_247 = arith.muli %sub3A_245, %mul3A_246 : i32
          %add3A_248 = arith.addi %mul3A_2, %mul3A_247 : i32
          %dma_wait3A_249 = arith.constant 1 : i32
          %dma_wait3A_250 = arith.constant 0 : i32
          %dma_wait3A_251 = arith.constant 0 : i32
          %dma_wait3A_252 = tpu.memref_slice %arg6[%dma_wait3A_249, %dma_wait3A_250, %dma_wait3A_251] : memref<4x32x768xf32, #tpu.memory_space<vmem>> -> memref<1x32x768xf32, #tpu.memory_space<vmem>>
          %dma_wait3A_253 = tpu.memref_squeeze %dma_wait3A_252 : memref<1x32x768xf32, #tpu.memory_space<vmem>> -> memref<32x768xf32, #tpu.memory_space<vmem>>
          %dma_wait3A_254 = arith.constant 0 : i32
          %dma_wait3A_255 = tpu.memref_slice %arg4[%add3A_248, %dma_wait3A_254] : memref<65536x768xf32, #tpu.memory_space<hbm>> -> memref<32x768xf32, #tpu.memory_space<hbm>>
          %dma_wait3A_256 = arith.constant 0 : i32
          %dma_wait3A_257 = tpu.memref_slice %arg4[%add3A_248, %dma_wait3A_256] : memref<65536x768xf32, #tpu.memory_space<hbm>> -> memref<32x768xf32, #tpu.memory_space<hbm>>
          %dma_wait3A_258 = arith.constant 0 : i32
          %dma_wait3A_259 = arith.constant 0 : i32
          %dma_wait3A_260 = tpu.memref_slice %arg6[%dma_wait3A_249, %dma_wait3A_258, %dma_wait3A_259] : memref<4x32x768xf32, #tpu.memory_space<vmem>> -> memref<1x32x768xf32, #tpu.memory_space<vmem>>
          %dma_wait3A_261 = tpu.memref_squeeze %dma_wait3A_260 : memref<1x32x768xf32, #tpu.memory_space<vmem>> -> memref<32x768xf32, #tpu.memory_space<vmem>>
          tpu.wait_dma2 semaphore(%arg12 : memref<!tpu.dma_semaphore, #tpu.memory_space<semaphore_mem>>) src(%dma_wait3A_261 : memref<32x768xf32, #tpu.memory_space<vmem>>) dst(%dma_wait3A_257 : memref<32x768xf32, #tpu.memory_space<hbm>>)
        } else {
        }
        %mul3A_234 = arith.constant 32 : i32
        %mul3A_235 = arith.muli %add3A_224, %mul3A_234 : i32
        %dma_start3A_236 = arith.constant 1 : i32
        %dma_start3A_237 = arith.constant 0 : i32
        %dma_start3A_238 = arith.constant 0 : i32
        %dma_start3A_239 = tpu.memref_slice %arg6[%dma_start3A_236, %dma_start3A_237, %dma_start3A_238] : memref<4x32x768xf32, #tpu.memory_space<vmem>> -> memref<1x32x768xf32, #tpu.memory_space<vmem>>
        %dma_start3A_240 = tpu.memref_squeeze %dma_start3A_239 : memref<1x32x768xf32, #tpu.memory_space<vmem>> -> memref<32x768xf32, #tpu.memory_space<vmem>>
        %dma_start3A_241 = tpu.memref_slice %arg5[%mul3A_235] : memref<2048xi32, #tpu.memory_space<vmem>> -> memref<32xi32, #tpu.memory_space<vmem>>
        %dma_start3A_242 = arith.constant 0 : i32
        %dma_start3A_243 = arith.constant 0 : i32
        %dma_start3A_244 = tpu.memref_slice %arg3[%dma_start3A_242, %dma_start3A_243] : memref<1024x768xf32, #tpu.memory_space<hbm>> -> memref<1024x768xf32, #tpu.memory_space<hbm>>
        tpu.enqueue_indirect_dma source(%dma_start3A_244 : memref<1024x768xf32, #tpu.memory_space<hbm>>) target(%dma_start3A_240 : memref<32x768xf32, #tpu.memory_space<vmem>>) offsets(%dma_start3A_241 : memref<32xi32, #tpu.memory_space<vmem>>) semaphore(%arg8 : memref<!tpu.dma_semaphore, #tpu.memory_space<semaphore_mem>>)
      } else {
      }
    }
    %scan3A_26 = arith.constant 16 : i32
    %add3A_27 = arith.constant 1920 : i32
    %add3A_28 = arith.addi %mul3A_2, %add3A_27 : i32
    %dma_wait3A = arith.constant 0 : i32
    %dma_wait3A_29 = arith.constant 0 : i32
    %dma_wait3A_30 = arith.constant 0 : i32
    %dma_wait3A_31 = tpu.memref_slice %arg6[%dma_wait3A, %dma_wait3A_29, %dma_wait3A_30] : memref<4x32x768xf32, #tpu.memory_space<vmem>> -> memref<1x32x768xf32, #tpu.memory_space<vmem>>
    %dma_wait3A_32 = tpu.memref_squeeze %dma_wait3A_31 : memref<1x32x768xf32, #tpu.memory_space<vmem>> -> memref<32x768xf32, #tpu.memory_space<vmem>>
    %dma_wait3A_33 = arith.constant 0 : i32
    %dma_wait3A_34 = tpu.memref_slice %arg4[%add3A_28, %dma_wait3A_33] : memref<65536x768xf32, #tpu.memory_space<hbm>> -> memref<32x768xf32, #tpu.memory_space<hbm>>
    %dma_wait3A_35 = arith.constant 0 : i32
    %dma_wait3A_36 = tpu.memref_slice %arg4[%add3A_28, %dma_wait3A_35] : memref<65536x768xf32, #tpu.memory_space<hbm>> -> memref<32x768xf32, #tpu.memory_space<hbm>>
    %dma_wait3A_37 = arith.constant 0 : i32
    %dma_wait3A_38 = arith.constant 0 : i32
    %dma_wait3A_39 = tpu.memref_slice %arg6[%dma_wait3A, %dma_wait3A_37, %dma_wait3A_38] : memref<4x32x768xf32, #tpu.memory_space<vmem>> -> memref<1x32x768xf32, #tpu.memory_space<vmem>>
    %dma_wait3A_40 = tpu.memref_squeeze %dma_wait3A_39 : memref<1x32x768xf32, #tpu.memory_space<vmem>> -> memref<32x768xf32, #tpu.memory_space<vmem>>
    tpu.wait_dma2 semaphore(%arg11 : memref<!tpu.dma_semaphore, #tpu.memory_space<semaphore_mem>>) src(%dma_wait3A_40 : memref<32x768xf32, #tpu.memory_space<vmem>>) dst(%dma_wait3A_36 : memref<32x768xf32, #tpu.memory_space<hbm>>)
    %add3A_41 = arith.constant 1952 : i32
    %add3A_42 = arith.addi %mul3A_2, %add3A_41 : i32
    %dma_wait3A_43 = arith.constant 1 : i32
    %dma_wait3A_44 = arith.constant 0 : i32
    %dma_wait3A_45 = arith.constant 0 : i32
    %dma_wait3A_46 = tpu.memref_slice %arg6[%dma_wait3A_43, %dma_wait3A_44, %dma_wait3A_45] : memref<4x32x768xf32, #tpu.memory_space<vmem>> -> memref<1x32x768xf32, #tpu.memory_space<vmem>>
    %dma_wait3A_47 = tpu.memref_squeeze %dma_wait3A_46 : memref<1x32x768xf32, #tpu.memory_space<vmem>> -> memref<32x768xf32, #tpu.memory_space<vmem>>
    %dma_wait3A_48 = arith.constant 0 : i32
    %dma_wait3A_49 = tpu.memref_slice %arg4[%add3A_42, %dma_wait3A_48] : memref<65536x768xf32, #tpu.memory_space<hbm>> -> memref<32x768xf32, #tpu.memory_space<hbm>>
    %dma_wait3A_50 = arith.constant 0 : i32
    %dma_wait3A_51 = tpu.memref_slice %arg4[%add3A_42, %dma_wait3A_50] : memref<65536x768xf32, #tpu.memory_space<hbm>> -> memref<32x768xf32, #tpu.memory_space<hbm>>
    %dma_wait3A_52 = arith.constant 0 : i32
    %dma_wait3A_53 = arith.constant 0 : i32
    %dma_wait3A_54 = tpu.memref_slice %arg6[%dma_wait3A_43, %dma_wait3A_52, %dma_wait3A_53] : memref<4x32x768xf32, #tpu.memory_space<vmem>> -> memref<1x32x768xf32, #tpu.memory_space<vmem>>
    %dma_wait3A_55 = tpu.memref_squeeze %dma_wait3A_54 : memref<1x32x768xf32, #tpu.memory_space<vmem>> -> memref<32x768xf32, #tpu.memory_space<vmem>>
    tpu.wait_dma2 semaphore(%arg12 : memref<!tpu.dma_semaphore, #tpu.memory_space<semaphore_mem>>) src(%dma_wait3A_55 : memref<32x768xf32, #tpu.memory_space<vmem>>) dst(%dma_wait3A_51 : memref<32x768xf32, #tpu.memory_space<hbm>>)
    %add3A_56 = arith.constant 1984 : i32
    %add3A_57 = arith.addi %mul3A_2, %add3A_56 : i32
    %dma_wait3A_58 = arith.constant 2 : i32
    %dma_wait3A_59 = arith.constant 0 : i32
    %dma_wait3A_60 = arith.constant 0 : i32
    %dma_wait3A_61 = tpu.memref_slice %arg6[%dma_wait3A_58, %dma_wait3A_59, %dma_wait3A_60] : memref<4x32x768xf32, #tpu.memory_space<vmem>> -> memref<1x32x768xf32, #tpu.memory_space<vmem>>
    %dma_wait3A_62 = tpu.memref_squeeze %dma_wait3A_61 : memref<1x32x768xf32, #tpu.memory_space<vmem>> -> memref<32x768xf32, #tpu.memory_space<vmem>>
    %dma_wait3A_63 = arith.constant 0 : i32
    %dma_wait3A_64 = tpu.memref_slice %arg4[%add3A_57, %dma_wait3A_63] : memref<65536x768xf32, #tpu.memory_space<hbm>> -> memref<32x768xf32, #tpu.memory_space<hbm>>
    %dma_wait3A_65 = arith.constant 0 : i32
    %dma_wait3A_66 = tpu.memref_slice %arg4[%add3A_57, %dma_wait3A_65] : memref<65536x768xf32, #tpu.memory_space<hbm>> -> memref<32x768xf32, #tpu.memory_space<hbm>>
    %dma_wait3A_67 = arith.constant 0 : i32
    %dma_wait3A_68 = arith.constant 0 : i32
    %dma_wait3A_69 = tpu.memref_slice %arg6[%dma_wait3A_58, %dma_wait3A_67, %dma_wait3A_68] : memref<4x32x768xf32, #tpu.memory_space<vmem>> -> memref<1x32x768xf32, #tpu.memory_space<vmem>>
    %dma_wait3A_70 = tpu.memref_squeeze %dma_wait3A_69 : memref<1x32x768xf32, #tpu.memory_space<vmem>> -> memref<32x768xf32, #tpu.memory_space<vmem>>
    tpu.wait_dma2 semaphore(%arg13 : memref<!tpu.dma_semaphore, #tpu.memory_space<semaphore_mem>>) src(%dma_wait3A_70 : memref<32x768xf32, #tpu.memory_space<vmem>>) dst(%dma_wait3A_66 : memref<32x768xf32, #tpu.memory_space<hbm>>)
    %add3A_71 = arith.constant 2016 : i32
    %add3A_72 = arith.addi %mul3A_2, %add3A_71 : i32
    %dma_wait3A_73 = arith.constant 3 : i32
    %dma_wait3A_74 = arith.constant 0 : i32
    %dma_wait3A_75 = arith.constant 0 : i32
    %dma_wait3A_76 = tpu.memref_slice %arg6[%dma_wait3A_73, %dma_wait3A_74, %dma_wait3A_75] : memref<4x32x768xf32, #tpu.memory_space<vmem>> -> memref<1x32x768xf32, #tpu.memory_space<vmem>>
    %dma_wait3A_77 = tpu.memref_squeeze %dma_wait3A_76 : memref<1x32x768xf32, #tpu.memory_space<vmem>> -> memref<32x768xf32, #tpu.memory_space<vmem>>
    %dma_wait3A_78 = arith.constant 0 : i32
    %dma_wait3A_79 = tpu.memref_slice %arg4[%add3A_72, %dma_wait3A_78] : memref<65536x768xf32, #tpu.memory_space<hbm>> -> memref<32x768xf32, #tpu.memory_space<hbm>>
    %dma_wait3A_80 = arith.constant 0 : i32
    %dma_wait3A_81 = tpu.memref_slice %arg4[%add3A_72, %dma_wait3A_80] : memref<65536x768xf32, #tpu.memory_space<hbm>> -> memref<32x768xf32, #tpu.memory_space<hbm>>
    %dma_wait3A_82 = arith.constant 0 : i32
    %dma_wait3A_83 = arith.constant 0 : i32
    %dma_wait3A_84 = tpu.memref_slice %arg6[%dma_wait3A_73, %dma_wait3A_82, %dma_wait3A_83] : memref<4x32x768xf32, #tpu.memory_space<vmem>> -> memref<1x32x768xf32, #tpu.memory_space<vmem>>
    %dma_wait3A_85 = tpu.memref_squeeze %dma_wait3A_84 : memref<1x32x768xf32, #tpu.memory_space<vmem>> -> memref<32x768xf32, #tpu.memory_space<vmem>>
    tpu.wait_dma2 semaphore(%arg14 : memref<!tpu.dma_semaphore, #tpu.memory_space<semaphore_mem>>) src(%dma_wait3A_85 : memref<32x768xf32, #tpu.memory_space<vmem>>) dst(%dma_wait3A_81 : memref<32x768xf32, #tpu.memory_space<hbm>>)
    return
  }
}

</mosaic_0001>

<sc_bundles>
// kernel: _gather_rows.3.cloned.1.call-start
scs
__scs_entry_jumppad:
0x0: {  	(pc) =	sbr.rel $0x88, $3  }
0x1: {  	(tag) =	ssettag $0x0;
	lr =	simm.s32 $0x1  }
0x2: {  	[smem:$0x3F9F] =	sst lr;
	_ =	strace $0xD0000000  }
0x3: {  	_ = 	snop  }
0x4: {  	_ = 	snop  }
0x5: {  	_ = 	snop  }
0x6: {  	_ = 	snop  }
0x7: {  	_ = 	snop  }
__scs_overlays_trampoline_lowered:
0x8: {  	[smem:$0x3FAE] =	sst s0  }
0x9: {  	[smem:$0x3FAF] =	sst s1  }
0xa: {  	[smem:$0x3FB0] =	sst s2  }
0xb: {  	[smem:$0x3FB1] =	sst s3  }
0xc: {  	[smem:$0x3FB2] =	sst s4  }
0xd: {  	[smem:$0x3FB3] =	sst s5  }
0xe: {  	[smem:$0x3FB4] =	sst s6  }
0xf: {  	[smem:$0x3FB5] =	sst s7  }
0x10: {  	[smem:$0x3FB6] =	sst s8  }
0x11: {  	[smem:$0x3FB7] =	sst s9;
	s0 =	simm.s32 @!p0 $0x0  }
0x12: {  	s1 =	sld [smem:$0x3F9D];
	s0 =	simm.s32 @p0 $0x1  }
0x13: {  	[smem:$0x3FB8] =	sst s0;
	s0 =	simm.s32 @!p1 $0x0  }
0x14: {  	s2 =	sld [smem:$0x3F9C];
	s0 =	simm.s32 @p1 $0x1  }
0x15: {  	[smem:$0x3FB9] =	sst s0;
	s0 =	simm.s32 @!p2 $0x0  }
0x16: {  	s3 =	sld [smem:$0x3FDB];
	s0 =	simm.s32 @p2 $0x1  }
0x17: {  	s4 =	simm.s32 $0x1BF5;
	[smem:$0x3FBB] =	sst s0  }
0x18: {  	s0 =	sld [smem:$0x3F9E];
	_ =	swait.ge [sflag:s4], $0x0  }
0x19: {  	s7 =	sld [smem:$0x3F9F]  }
0x1a: {  	s8 =	sadd.s32 $0xFFFFE003, lr  }
0x1b: {  	s9 =	sadd.s32 $0xFFFFFEF7, lr;
	s5 =	simm.s32 $0xFFFFFFFF;
	p2 =	slt.u32 s8, $0xFFFFF086  }
0x1c: {  	p1 =	slt.u32 s9, $0xF7A;
	s5 =	simm.s32 @!p2 $0x0  }
0x1d: {  	s5 =	simm.s32 @p1 $0x1;
	p0 =	seq.s32 s7, s2  }
0x1e: {  	s7 =	smul.u32 @!p0 $0xF7A, s2;
	p2 =	seq.s32 @!p0 s5, $0x0  }
0x1f: {  	s9 =	smul.u32 $0xF7A, s1;
	s8 =	simm.s32 @!p0 $0x1BF5;
	p2 =	por !p2, p0  }
0x20: {  	[sflag:s8] =	ssyncset.s32 @!p0 $0xFFFFF086;
	s6 =	sadd.s32 @!p0 s3, s7;
	s7 =	simm.s32 @!p0 $0x108  }
0x21: {  	s3 =	sadd.s32 s3, s9;
	s6 =	sadd.s32 @!p0 $0x88, s6;
	s7 =	simm.s32 @p2 $0x1082  }
0x22: {  	[simem:s7], [sflag:s8] =	dma.local @!p0 [hbm:s6], $0xF7A  }
0x23: {  	s9 =	sor.u32 $0xD0000000, s2;
	s6 =	simm.s32 $0x108;
	_ =	swait.ge @!p0 [sflag:s8], $0x0  }
0x24: {  	s3 =	sadd.s32 $0x88, s3;
	s6 =	simm.s32 @!p1 $0x1082;
	[sflag:s4] =	ssyncset.s32 $0xFFFFF086  }
0x25: {  	[simem:s6], [sflag:s4] =	dma.local [hbm:s3], $0xF7A  }
0x26: {  	[smem:$0x3F9F] =	sst s1;
	(tag) =	ssettag s2;
	_ =	strace s9  }
0x27: {  	s1 =	sld [smem:$0x3FAF]  }
0x28: {  	s2 =	sld [smem:$0x3FB0]  }
0x29: {  	s4 =	sld [smem:$0x3FB2]  }
0x2a: {  	p0 =	seq.s32 s5, $0x0;
	s5 =	sld [smem:$0x3FB3]  }
0x2b: {  	s6 =	sld [smem:$0x3FB4]  }
0x2c: {  	s7 =	sld [smem:$0x3FB5]  }
0x2d: {  	s3 =	simm.s32 $0x108;
	s8 =	sld [smem:$0x3FB6]  }
0x2e: {  	s3 =	simm.s32 @!p0 $0x1082;
	s9 =	sld [smem:$0x3FB7]  }
0x2f: {  	lr =	sadd.s32 s0, s3;
	s0 =	sld [smem:$0x3FAE]  }
0x30: {  	s3 =	sld [smem:$0x3FB1]  }
0x31: {  	[smem:$0x3FBA] =	sst s10  }
0x32: {  	s10 =	sld [smem:$0x3FB8];
	_ =	sdelay $0x3  }
0x33: {  	p0 =	seq.s32 s10, $0x1;
	s10 =	sld [smem:$0x3FBA];
	_ =	sdelay $0x3  }
0x34: {  	[smem:$0x3FBA] =	sst s10  }
0x35: {  	s10 =	sld [smem:$0x3FB9];
	_ =	sdelay $0x3  }
0x36: {  	p1 =	seq.s32 s10, $0x1;
	s10 =	sld [smem:$0x3FBA];
	_ =	sdelay $0x3  }
0x37: {  	[smem:$0x3FBA] =	sst s10  }
0x38: {  	s10 =	sld [smem:$0x3FBB]  }
0x39: {  	_ = 	snop;
	(pc) =	sbr.ind lr, $3  }
0x3a: {  	_ = 	snop  }
0x3b: {  	_ = 	snop  }
0x3c: {  	p2 =	seq.s32 s10, $0x1;
	s10 =	sld [smem:$0x3FBA]  }
0x3d: {  	_ =	shalt  }
0x3e: {  	_ =	shalt  }
0x3f: {  	_ =	shalt  }
0x40: {  	_ =	shalt  }
0x41: {  	_ =	shalt  }
0x42: {  	_ =	shalt  }
0x43: {  	_ =	shalt  }
0x44: {  	_ =	shalt  }
0x45: {  	_ =	shalt  }
0x46: {  	_ =	shalt  }
0x47: {  	_ =	shalt  }
0x48: {  	_ =	shalt  }
0x49: {  	_ =	shalt  }
0x4a: {  	_ =	shalt  }
0x4b: {  	_ =	shalt  }
0x4c: {  	_ =	shalt  }
0x4d: {  	_ =	shalt  }
0x4e: {  	_ =	shalt  }
0x4f: {  	_ =	shalt  }
0x50: {  	_ =	shalt  }
0x51: {  	_ =	shalt  }
0x52: {  	_ =	shalt  }
0x53: {  	_ =	shalt  }
0x54: {  	_ =	shalt  }
0x55: {  	_ =	shalt  }
0x56: {  	_ =	shalt  }
0x57: {  	_ =	shalt  }
0x58: {  	_ =	shalt  }
0x59: {  	_ =	shalt  }
0x5a: {  	_ =	shalt  }
0x5b: {  	_ =	shalt  }
0x5c: {  	_ =	shalt  }
0x5d: {  	_ =	shalt  }
0x5e: {  	_ =	shalt  }
0x5f: {  	_ =	shalt  }
0x60: {  	_ =	shalt  }
0x61: {  	_ =	shalt  }
0x62: {  	_ =	shalt  }
0x63: {  	_ =	shalt  }
0x64: {  	_ =	shalt  }
0x65: {  	_ =	shalt  }
0x66: {  	_ =	shalt  }
0x67: {  	_ =	shalt  }
0x68: {  	_ =	shalt  }
0x69: {  	_ =	shalt  }
0x6a: {  	_ =	shalt  }
0x6b: {  	_ =	shalt  }
0x6c: {  	_ =	shalt  }
0x6d: {  	_ =	shalt  }
0x6e: {  	_ =	shalt  }
0x6f: {  	_ =	shalt  }
0x70: {  	_ =	shalt  }
0x71: {  	_ =	shalt  }
0x72: {  	_ =	shalt  }
0x73: {  	_ =	shalt  }
0x74: {  	_ =	shalt  }
0x75: {  	_ =	shalt  }
0x76: {  	_ =	shalt  }
0x77: {  	_ =	shalt  }
0x78: {  	_ =	shalt  }
0x79: {  	_ =	shalt  }
0x7a: {  	_ =	shalt  }
0x7b: {  	_ =	shalt  }
0x7c: {  	_ =	shalt  }
0x7d: {  	_ =	shalt  }
0x7e: {  	_ =	shalt  }
0x7f: {  	_ =	shalt  }
0x80: {  	_ =	shalt  }
0x81: {  	_ =	shalt  }
0x82: {  	_ =	shalt  }
0x83: {  	_ =	shalt  }
0x84: {  	_ =	shalt  }
0x85: {  	_ =	shalt  }
0x86: {  	_ =	shalt  }
0x87: {  	_ =	shalt  }
.Lfunc_end0:
.L_simem_size_0:
called_computation_lowered:
.L_overlay_start_0:
0x88: {  	s2 =	sld [smem:$0x3FD9]  }
0x89: {  	s3 =	sld [smem:$0x3FFE];
	_ =	sdelay $0x1  }
0x8a: {  	s1 =	srdreg.scid  }
0x8b: {  	s0 =	sand.u32 $0x1, s1  }
0x8c: {  	s18 =	sshll.u32 s0, $0xA;
	s2 =	sadd.s32 s3, s2  }
0x8d: {  	s2 =	sadd.s32 s2, s18  }
0x8e: {  	[smem:$0x3FC6] =	sst s2  }
0x8f: {  	_ = 	snop  }
0x90: {  	s2 =	sld [smem:$0x3FC9]  }
0x91: {  	s19 =	sld [smem:$0x3FC8]  }
0x92: {  	s4 =	sld [smem:$0x3FD0];
	(tm) =	ssettm $0x1  }
0x93: {  	s5 =	sld [smem:$0x3FFB];
	_ =	sdelay $0x3  }
0x94: {  	_ =	strace s5  }
0x95: {  	s5 =	sld [smem:$0x3FFC];
	_ =	sdelay $0x3  }
0x96: {  	_ =	strace s5  }
0x97: {  	s5 =	sld [smem:$0x3FFD];
	_ =	sdelay $0x3  }
0x98: {  	_ =	strace s5  }
0x99: {  	_ =	strace $0x8FFFFFFF  }
0x9a: {  	s20 =	sld [smem:$0x3FDB];
	_ =	sdelay $0x1  }
0x9b: {  	s6 =	simm.s32 $_scs_section_size  }
0x9c: {  	s7 =	simm.s32 $_size__tile_overlayer_lowered;
	s8 =	simm.s32 $_tile_overlayer_lowered  }
0x9d: {  	s23 =	simm.s32 $0x1BFF;
	s22 =	sshll.u32 s8, $0x1;
	s5 =	sadd.s32 s6, s20  }
0x9e: {  	s9 =	simm.s32 $0x0;
	s21 =	sshll.u32 s7, $0x1;
	s7 =	sadd.s32 s22, s5  }
0x9f: {  	[timem:s9], [sflag:s23] =	dma.local [hbm:s7], s21  }
0xa0: {  	_ =	swait.ge [sflag:s23], s21  }
0xa1: {  	s6 =	ssub.s32 $0x0, s21;
	[sflag:s23] =	ssyncset.done $0x0  }
0xa2: {  	[sflag:s23] =	ssyncadd.s32 s6;
	_ =	sdelay $0x1  }
0xa3: {  	s24 =	simm.s32 $0x1B8B  }
0xa4: {  	_ =	swait.ge [sflag:s24], $0x1  }
0xa5: {  	[sflag:s24] =	ssyncset.done $0x0  }
0xa6: {  	s25 =	simm.s32 $0x1B8E;
	[sflag:s24] =	ssyncadd.s32 $0xFFFFFFFF  }
0xa7: {  	s26 =	simm.s32 $execute0_lowered;
	[smem:$0x3FD2] =	sst s25  }
0xa8: {  	s6 =	sshll.u32 s26, $0x1;
	_ =	strace $0x80000046;
	[dreg:$0x1] =	wrdreg $0xFFFFFFFF  }
0xa9: {  	s28 =	simm.s32 $_size_execute0_lowered;
	s5 =	sadd.s32 s5, s6;
	[dreg:$0x0] =	wrdreg $0x0  }
0xaa: {  	s6 =	sshll.u32 s28, $0x1;
	[dreg:$0x2] =	wrdreg s5  }
0xab: {  	[dreg:$0x3] =	wrdreg s6  }
0xac: {  	[dreg:$0x4] =	wrdreg $0xC0  }
0xad: {  	_ =	task [dreg:s9], $0x5FFFF  }
0xae: {  	[dreg:$0x1] =	wrdreg $0xFFFFFFFF  }
0xaf: {  	[dreg:$0x0] =	wrdreg $0x60  }
0xb0: {  	[dreg:$0x2] =	wrdreg s2  }
0xb1: {  	[dreg:$0x3] =	wrdreg s19  }
0xb2: {  	[dreg:$0x4] =	wrdreg s4  }
0xb3: {  	[dreg:$0x5] =	wrdreg $0x9  }
0xb4: {  	_ =	task.clear_ibuf [dreg:s9], $0x6FFFF;
	_ =	strace $0x90000046  }
0xb5: {  	s29 =	simm.s32 $0x9;
	_ =	strace $0x80000048  }
0xb6: {  	_ =	swait.ge [sflag:s29], $0x1  }
0xb7: {  	[sflag:s29] =	ssyncadd.s32 $0xFFFFFFFF  }
0xb8: {  	_ =	strace $0x90000048  }
0xb9: {  	_ =	sfence  }
0xba: {  	s30 =	sld [smem:$0x0];
	_ =	sdelay $0x2  }
0xbb: {  	s31 =	sshll.u32 s1, $0xD;
	s1 =	sshrl.u32 s1, $0x2  }
0xbc: {  	s3 =	sand.u32 $0x4000, s31;
	s1 =	sadd.s32 s1, s30  }
0xbd: {  	s0 =	sor.u32 s3, s0;
	s1 =	sshll.u32 s1, $0x11  }
0xbe: {  	s0 =	sor.u32 s1, s0  }
0xbf: {  	s0 =	sadd.s32 $0x8F2B, s0  }
0xc0: {  	[sflag:s0] =	ssyncadd.remote.s32 $0x1  }
0xc1: {  	_ =	sfence.sel $0xFFFF  }
0xc2: {  	[dreg:$0x0] =	wrdreg $0xFFFFFFFF;
	(pc) =	sbr.abs _section_cstart, $3  }
0xc3: {  	[dreg:$0x1] =	wrdreg $0xFFFFFFFF  }
0xc4: {  	_ =	task.clear_ibuf [dreg:s9], $0x2FFFF;
	_ =	strace $0x9FFFFFFF  }
0xc5: {  	(tm) =	ssettm $0x7FFFFFFF  }
tec
execute0_lowered:
.L_overlay_start_1:
0x0: {  	(tag) =	ssettag $0x1  }
0x1: {  	s0 =	rddreg [dreg:$0x0]  }
0x2: {  	s2 =	rddreg [dreg:$0x1]  }
0x3: {  	s1 =	rddreg [dreg:$0x2]  }
0x4: {  	s3 =	srdreg.scid;
	s5 =	stileid.u32;
	s16 =	simm.s32 $0x1  }
0x5: {  	s17 =	simm.s32 $0xC800;
	s28 =	simm.s32 $0x12800;
	s29 =	simm.s32 $0x13000  }
0x6: {  	s30 =	simm.s32 $0x13800;
	s31 =	simm.s32 $0x14000;
	s13 =	simm.s32 $0x15800  }
0x7: {  	s14 =	simm.s32 $0x16000;
	s15 =	simm.s32 $0x16800;
	s18 =	simm.s32 $0x17000  }
0x8: {  	s19 =	simm.s32 $0x17800;
	s20 =	simm.s32 $0x18000;
	s21 =	simm.s32 $0x3  }
0x9: {  	s22 =	simm.s32 $0x4;
	s23 =	simm.s32 $0x6;
	s11 =	simm.s32 $0x0  }
0xa: {  	s4 =	sand.u32 $0x1, s3;
	s3 =	simm.s32 $0x0;
	s5 =	sshll.u32 s5, $0xC  }
0xb: {  	s6 =	sshll.u32 s4, $0xB;
	[smem:$0x7FF] =	sst s3;
	s4 =	ssub.s32 $0x2, s4  }
0xc: {  	s5 =	sor.u32 s6, s5;
	_ =	strace $0x80000047;
	s8 =	sshrl.u32 s4, $0x1  }
0xd: {  	s6 =	sor.u32 $0x40, s5;
	s7 =	sor.u32 $0x60, s5;
	s25 =	sshrl.u32 s5, $0x3  }
0xe: {  	s4 =	ssub.s32 s4, s8;
	s6 =	sshrl.u32 s6, $0x3;
	s26 =	smul.u32 $0x300, s25  }
0xf: {  	s5 =	sadd.s32 $0x100, s2;
	s24 =	sshrl.u32 s7, $0x3;
	s9 =	smul.u32 $0x300, s6  }
.Ltmp0:
0x10: {  	s0 =	sadd.s32 s0, s25;
	s4 =	smax.u32 s4, $0x1;
	(pc) =	sbr.rel .LBB2_1-.Ltmp0, $4  }
0x11: {  	s25 =	simm.s32 $0x12000;
	s10 =	smul.u32 $0x300, s24;
	[dreg:$0x4] =	wrdreg s0  }
0x12: {  	v2 =	vlaneseq.u32;
	s6 =	sadd.s32 $0x200, s2;
	[dreg:$0x5] =	wrdreg s4;
	s24 =	simm.s32 $0x6800  }
0x13: {  	vm0 =	vmmov $0xffff;
	v1 =	vshrl.u32 v2, $0x3;
	s0 =	simm.s32 $0x14800;
	s8 =	sadd.s32 s9, s1;
	s9 =	sadd.s32 s10, s1  }
0x14: {  	v0 =	vand.u32 $0x7, v2;
	v2 =	vor.u32 $0x8, v2;
	v1 =	vmul.u32 $0x8, v1;
	s10 =	sadd.s32 s26, s1;
	s26 =	simm.s32 $0x2;
	s1 =	simm.s32 $0x15000  }
.LBB2_4:
0x15: {  	s4 =	simm.s32 $0x5  }
0x16: {  	_ =	swait.ge [sflag:s4], $0x6000  }
0x17: {  	[sflag:s4] =	ssyncset.done $0x0  }
0x18: {  	[sflag:s4] =	ssyncadd.s32 $0xFFFFA000  }
0x19: {  	_ =	swait.ge [sflag:s23], $0x6000  }
0x1a: {  	[sflag:s23] =	ssyncset.done $0x0  }
0x1b: {  	s11 =	simm.s32 $0x7;
	[sflag:s23] =	ssyncadd.s32 $0xFFFFA000  }
0x1c: {  	_ =	swait.ge [sflag:s11], $0x6000  }
0x1d: {  	[sflag:s11] =	ssyncset.done $0x0  }
0x1e: {  	s7 =	simm.s32 $0x8;
	[sflag:s11] =	ssyncadd.s32 $0xFFFFA000  }
0x1f: {  	_ =	swait.ge [sflag:s7], $0x6000  }
0x20: {  	s11 =	rddreg [dreg:$0x6]  }
0x21: {  	s12 =	rddreg [dreg:$0x5];
	s11 =	sadd.s32 $0x1, s11  }
0x22: {  	p0 =	sne.s32 s11, s12  }
.Ltmp1:
0x23: {  	_ = 	snop;
	(pc) =	sbr.rel @!p0 .LBB2_5-.Ltmp1, $3  }
0x24: {  	_ =	sdelay $0x1  }
0x25: {  	[sflag:s7] =	ssyncset.done $0x0  }
0x26: {  	[sflag:s7] =	ssyncadd.s32 $0xFFFFA000  }
.LBB2_1:
0x27: {  	[dreg:$0x6] =	wrdreg s11  }
0x28: {  	s4 =	rddreg [dreg:$0x4];
	s7 =	simm.s32 $0x9  }
0x29: {  	[tilespmem:s3], [sflag:$0x9] =	stream.linear.gather [hbm4b:s4+s3], $0x800, $0x38;
	[tilespmem:$0x18800] =	vst v63  }
0x2a: {  	_ =	swait.ge [sflag:s7], $0x800  }
0x2b: {  	[sflag:s7] =	ssyncset.done $0x0  }
0x2c: {  	[sflag:s7] =	ssyncadd.s32 $0xFFFFF800  }
0x2d: {  	v3 =	vld [tilespmem:$0x0];
	_ =	sdelay $0x4  }
0x2e: {  	v4 =	vshrl.u32 v3, $0x3  }
0x2f: {  	v4 =	vmul.u32 $0x30, v4  }
0x30: {  	v3 =	vand.u32 $0x7, v3  }
0x31: {  	v3 =	vor.u32 v3, v4  }
0x32: {  	v4 =	vperm.xlane v3, v0;
	_ =	sdelay $0x1  }
0x33: {  	v4 =	vadd.s32 v1, v4;
	_ =	sdelay $0x3  }
0x34: {  	s11 =	simm.s32 $0x800;
	v3 =	vperm.xlane v3, v2  }
0x35: {  	[tilespmem:s11], [sflag:$0x1] =	stream.indirect_vreg.gather [hbm4b:s2+s3], $0x80, v4, vm0, $0xb8;
	[tilespmem:$0x18800] =	vst v63  }
0x36: {  	s12 =	simm.s32 $0x1000;
	v3 =	vadd.s32 v1, v3  }
0x37: {  	[tilespmem:s12], [sflag:$0x1] =	stream.indirect_vreg.gather [hbm4b:s5+s3], $0x80, v4, vm0, $0xb8;
	[tilespmem:$0x18800] =	vst v63  }
0x38: {  	s7 =	simm.s32 $0x1800  }
0x39: {  	[tilespmem:s7], [sflag:$0x1] =	stream.indirect_vreg.gather [hbm4b:s6+s3], $0x80, v4, vm0, $0xb8;
	[tilespmem:$0x18800] =	vst v63  }
0x3a: {  	s11 =	simm.s32 $0x2000  }
0x3b: {  	[tilespmem:s11], [sflag:$0x1] =	stream.indirect_vreg.gather [hbm4b:s2+s3], $0x80, v3, vm0, $0xb8;
	[tilespmem:$0x18800] =	vst v63  }
0x3c: {  	s12 =	simm.s32 $0x2800  }
0x3d: {  	[tilespmem:s12], [sflag:$0x1] =	stream.indirect_vreg.gather [hbm4b:s5+s3], $0x80, v3, vm0, $0xb8;
	[tilespmem:$0x18800] =	vst v63  }
0x3e: {  	s7 =	simm.s32 $0x3000  }
0x3f: {  	[tilespmem:s7], [sflag:$0x1] =	stream.indirect_vreg.gather [hbm4b:s6+s3], $0x80, v3, vm0, $0xb8;
	[tilespmem:$0x18800] =	vst v63  }
0x40: {  	v3 =	vld [tilespmem:$0x10];
	_ =	sdelay $0x4  }
0x41: {  	v61 =	vshrl.u32 v3, $0x3  }
0x42: {  	v4 =	vmul.u32 $0x30, v61  }
0x43: {  	v3 =	vand.u32 $0x7, v3  }
0x44: {  	v3 =	vor.u32 v3, v4  }
0x45: {  	v4 =	vperm.xlane v3, v0;
	_ =	sdelay $0x1  }
0x46: {  	v4 =	vadd.s32 v1, v4;
	_ =	sdelay $0x3  }
0x47: {  	s11 =	simm.s32 $0x3800;
	v3 =	vperm.xlane v3, v2  }
0x48: {  	[tilespmem:s11], [sflag:$0x1] =	stream.indirect_vreg.gather [hbm4b:s2+s3], $0x80, v4, vm0, $0xb8;
	[tilespmem:$0x18800] =	vst v63  }
0x49: {  	s12 =	simm.s32 $0x4000;
	v3 =	vadd.s32 v1, v3  }
0x4a: {  	[tilespmem:s12], [sflag:$0x1] =	stream.indirect_vreg.gather [hbm4b:s5+s3], $0x80, v4, vm0, $0xb8;
	[tilespmem:$0x18800] =	vst v63  }
0x4b: {  	s7 =	simm.s32 $0x4800  }
0x4c: {  	[tilespmem:s7], [sflag:$0x1] =	stream.indirect_vreg.gather [hbm4b:s6+s3], $0x80, v4, vm0, $0xb8;
	[tilespmem:$0x18800] =	vst v63  }
0x4d: {  	s11 =	simm.s32 $0x5000  }
0x4e: {  	[tilespmem:s11], [sflag:$0x1] =	stream.indirect_vreg.gather [hbm4b:s2+s3], $0x80, v3, vm0, $0xb8;
	[tilespmem:$0x18800] =	vst v63  }
0x4f: {  	s12 =	simm.s32 $0x5800  }
0x50: {  	[tilespmem:s12], [sflag:$0x1] =	stream.indirect_vreg.gather [hbm4b:s5+s3], $0x80, v3, vm0, $0xb8;
	[tilespmem:$0x18800] =	vst v63  }
0x51: {  	s7 =	simm.s32 $0x6000  }
0x52: {  	[tilespmem:s7], [sflag:$0x1] =	stream.indirect_vreg.gather [hbm4b:s6+s3], $0x80, v3, vm0, $0xb8;
	[tilespmem:$0x18800] =	vst v63  }
0x53: {  	v3 =	vld [tilespmem:$0x20];
	_ =	sdelay $0x4  }
0x54: {  	v62 =	vshrl.u32 v3, $0x3  }
0x55: {  	v4 =	vmul.u32 $0x30, v62  }
0x56: {  	v3 =	vand.u32 $0x7, v3  }
0x57: {  	v3 =	vor.u32 v3, v4  }
0x58: {  	v4 =	vperm.xlane v3, v0;
	_ =	sdelay $0x1  }
0x59: {  	v4 =	vadd.s32 v1, v4;
	_ =	sdelay $0x3  }
0x5a: {  	v3 =	vperm.xlane v3, v2  }
0x5b: {  	[tilespmem:s24], [sflag:$0x2] =	stream.indirect_vreg.gather [hbm4b:s2+s3], $0x80, v4, vm0, $0xb8;
	[tilespmem:$0x18800] =	vst v63  }
0x5c: {  	s11 =	simm.s32 $0x7000;
	v3 =	vadd.s32 v1, v3  }
0x5d: {  	[tilespmem:s11], [sflag:$0x2] =	stream.indirect_vreg.gather [hbm4b:s5+s3], $0x80, v4, vm0, $0xb8;
	[tilespmem:$0x18800] =	vst v63  }
0x5e: {  	s12 =	simm.s32 $0x7800  }
0x5f: {  	[tilespmem:s12], [sflag:$0x2] =	stream.indirect_vreg.gather [hbm4b:s6+s3], $0x80, v4, vm0, $0xb8;
	[tilespmem:$0x18800] =	vst v63  }
0x60: {  	s7 =	simm.s32 $0x8000  }
0x61: {  	[tilespmem:s7], [sflag:$0x2] =	stream.indirect_vreg.gather [hbm4b:s2+s3], $0x80, v3, vm0, $0xb8;
	[tilespmem:$0x18800] =	vst v63  }
0x62: {  	s11 =	simm.s32 $0x8800  }
0x63: {  	[tilespmem:s11], [sflag:$0x2] =	stream.indirect_vreg.gather [hbm4b:s5+s3], $0x80, v3, vm0, $0xb8;
	[tilespmem:$0x18800] =	vst v63  }
0x64: {  	s12 =	simm.s32 $0x9000  }
0x65: {  	[tilespmem:s12], [sflag:$0x2] =	stream.indirect_vreg.gather [hbm4b:s6+s3], $0x80, v3, vm0, $0xb8;
	[tilespmem:$0x18800] =	vst v63  }
0x66: {  	v3 =	vld [tilespmem:$0x30];
	_ =	sdelay $0x4  }
0x67: {  	v63 =	vshrl.u32 v3, $0x3  }
0x68: {  	v4 =	vmul.u32 $0x30, v63  }
0x69: {  	v3 =	vand.u32 $0x7, v3  }
0x6a: {  	v3 =	vor.u32 v3, v4  }
0x6b: {  	v4 =	vperm.xlane v3, v0;
	_ =	sdelay $0x1  }
0x6c: {  	v4 =	vadd.s32 v1, v4;
	_ =	sdelay $0x3  }
0x6d: {  	s7 =	simm.s32 $0x9800;
	v3 =	vperm.xlane v3, v2  }
0x6e: {  	[tilespmem:s7], [sflag:$0x2] =	stream.indirect_vreg.gather [hbm4b:s2+s3], $0x80, v4, vm0, $0xb8;
	[tilespmem:$0x18800] =	vst v63  }
0x6f: {  	s11 =	simm.s32 $0xA000;
	v3 =	vadd.s32 v1, v3  }
0x70: {  	[tilespmem:s11], [sflag:$0x2] =	stream.indirect_vreg.gather [hbm4b:s5+s3], $0x80, v4, vm0, $0xb8;
	[tilespmem:$0x18800] =	vst v63  }
0x71: {  	s12 =	simm.s32 $0xA800  }
0x72: {  	[tilespmem:s12], [sflag:$0x2] =	stream.indirect_vreg.gather [hbm4b:s6+s3], $0x80, v4, vm0, $0xb8;
	[tilespmem:$0x18800] =	vst v63  }
0x73: {  	s7 =	simm.s32 $0xB000  }
0x74: {  	[tilespmem:s7], [sflag:$0x2] =	stream.indirect_vreg.gather [hbm4b:s2+s3], $0x80, v3, vm0, $0xb8;
	[tilespmem:$0x18800] =	vst v63  }
0x75: {  	s11 =	simm.s32 $0xB800  }
0x76: {  	[tilespmem:s11], [sflag:$0x2] =	stream.indirect_vreg.gather [hbm4b:s5+s3], $0x80, v3, vm0, $0xb8;
	[tilespmem:$0x18800] =	vst v63  }
0x77: {  	s4 =	simm.s32 $0x60;
	s12 =	simm.s32 $0xC000;
	s7 =	simm.s32 $0x0  }
0x78: {  	[tilespmem:s12], [sflag:$0x2] =	stream.indirect_vreg.gather [hbm4b:s6+s3], $0x80, v3, vm0, $0xb8;
	[tilespmem:$0x18800] =	vst v63  }
.LBB2_2:
0x79: {  	_ =	swait.ge [sflag:s16], $0x6000  }
0x7a: {  	s11 =	sadd.s32 s7, s10;
	[sflag:s16] =	ssyncset.done $0x0  }
0x7b: {  	s12 =	simm.s32 $0x800;
	p0 =	seq.s32 s7, $0x0;
	[sflag:s16] =	ssyncadd.s32 $0xFFFFA000  }
0x7c: {  	[hbm4b:s11+s3] =	stream.linear.scatter [tilespmem:s12], [sflag:$0x5], $0x6000, $0x38;
	[tilespmem:$0x18800] =	vst v63  }
0x7d: {  	s12 =	simm.s32 @!p0 $0x7  }
0x7e: {  	_ =	swait.ge @!p0 [sflag:s12], $0x6000  }
0x7f: {  	[sflag:s12] =	ssyncset.done @!p0 $0x0  }
0x80: {  	[sflag:s12] =	ssyncadd.s32 @!p0 $0xFFFFA000  }
0x81: {  	v3 =	vld [tilespmem:s4+$0xFFFFFFE0];
	_ =	sdelay $0x4  }
0x82: {  	v4 =	vshrl.u32 v3, $0x3  }
0x83: {  	v4 =	vmul.u32 $0x30, v4  }
0x84: {  	v3 =	vand.u32 $0x7, v3  }
0x85: {  	v3 =	vor.u32 v3, v4  }
0x86: {  	v4 =	vperm.xlane v3, v0;
	_ =	sdelay $0x1  }
0x87: {  	v4 =	vadd.s32 v1, v4;
	_ =	sdelay $0x3  }
0x88: {  	v3 =	vperm.xlane v3, v2  }
0x89: {  	[tilespmem:s17], [sflag:$0x3] =	stream.indirect_vreg.gather [hbm4b:s2+s3], $0x80, v4, vm0, $0xb8;
	[tilespmem:$0x18800] =	vst v63  }
0x8a: {  	s12 =	simm.s32 $0xD000;
	v3 =	vadd.s32 v1, v3  }
0x8b: {  	[tilespmem:s12], [sflag:$0x3] =	stream.indirect_vreg.gather [hbm4b:s5+s3], $0x80, v4, vm0, $0xb8;
	[tilespmem:$0x18800] =	vst v63  }
0x8c: {  	s12 =	simm.s32 $0xD800  }
0x8d: {  	[tilespmem:s12], [sflag:$0x3] =	stream.indirect_vreg.gather [hbm4b:s6+s3], $0x80, v4, vm0, $0xb8;
	[tilespmem:$0x18800] =	vst v63  }
0x8e: {  	s12 =	simm.s32 $0xE000  }
0x8f: {  	[tilespmem:s12], [sflag:$0x3] =	stream.indirect_vreg.gather [hbm4b:s2+s3], $0x80, v3, vm0, $0xb8;
	[tilespmem:$0x18800] =	vst v63  }
0x90: {  	s12 =	simm.s32 $0xE800  }
0x91: {  	[tilespmem:s12], [sflag:$0x3] =	stream.indirect_vreg.gather [hbm4b:s5+s3], $0x80, v3, vm0, $0xb8;
	[tilespmem:$0x18800] =	vst v63  }
0x92: {  	s12 =	simm.s32 $0xF000  }
0x93: {  	[tilespmem:s12], [sflag:$0x3] =	stream.indirect_vreg.gather [hbm4b:s6+s3], $0x80, v3, vm0, $0xb8;
	[tilespmem:$0x18800] =	vst v63  }
0x94: {  	v3 =	vld [tilespmem:s4+$0xFFFFFFF0];
	_ =	sdelay $0x4  }
0x95: {  	v61 =	vshrl.u32 v3, $0x3  }
0x96: {  	v4 =	vmul.u32 $0x30, v61  }
0x97: {  	v3 =	vand.u32 $0x7, v3  }
0x98: {  	v3 =	vor.u32 v3, v4  }
0x99: {  	v4 =	vperm.xlane v3, v0;
	_ =	sdelay $0x1  }
0x9a: {  	v4 =	vadd.s32 v1, v4;
	_ =	sdelay $0x3  }
0x9b: {  	s12 =	simm.s32 $0xF800;
	v3 =	vperm.xlane v3, v2  }
0x9c: {  	[tilespmem:s12], [sflag:$0x3] =	stream.indirect_vreg.gather [hbm4b:s2+s3], $0x80, v4, vm0, $0xb8;
	[tilespmem:$0x18800] =	vst v63  }
0x9d: {  	v3 =	vadd.s32 v1, v3;
	s12 =	simm.s32 $0x10000  }
0x9e: {  	[tilespmem:s12], [sflag:$0x3] =	stream.indirect_vreg.gather [hbm4b:s5+s3], $0x80, v4, vm0, $0xb8;
	[tilespmem:$0x18800] =	vst v63  }
0x9f: {  	s12 =	simm.s32 $0x10800  }
0xa0: {  	[tilespmem:s12], [sflag:$0x3] =	stream.indirect_vreg.gather [hbm4b:s6+s3], $0x80, v4, vm0, $0xb8;
	[tilespmem:$0x18800] =	vst v63  }
0xa1: {  	s12 =	simm.s32 $0x11000  }
0xa2: {  	[tilespmem:s12], [sflag:$0x3] =	stream.indirect_vreg.gather [hbm4b:s2+s3], $0x80, v3, vm0, $0xb8;
	[tilespmem:$0x18800] =	vst v63  }
0xa3: {  	s12 =	simm.s32 $0x11800  }
0xa4: {  	[tilespmem:s12], [sflag:$0x3] =	stream.indirect_vreg.gather [hbm4b:s5+s3], $0x80, v3, vm0, $0xb8;
	[tilespmem:$0x18800] =	vst v63  }
0xa5: {  	_ = 	snop  }
0xa6: {  	[tilespmem:s25], [sflag:$0x3] =	stream.indirect_vreg.gather [hbm4b:s6+s3], $0x80, v3, vm0, $0xb8;
	[tilespmem:$0x18800] =	vst v63  }
0xa7: {  	_ =	swait.ge [sflag:s26], $0x6000  }
0xa8: {  	[sflag:s26] =	ssyncset.done $0x0  }
0xa9: {  	s11 =	sadd.s32 $0xC00, s11;
	[sflag:s26] =	ssyncadd.s32 $0xFFFFA000  }
0xaa: {  	[hbm4b:s11+s3] =	stream.linear.scatter [tilespmem:s24], [sflag:$0x6], $0x6000, $0x38;
	[tilespmem:$0x18800] =	vst v63  }
0xab: {  	s11 =	simm.s32 @!p0 $0x8  }
0xac: {  	_ =	swait.ge @!p0 [sflag:s11], $0x6000  }
0xad: {  	[sflag:s11] =	ssyncset.done @!p0 $0x0  }
0xae: {  	[sflag:s11] =	ssyncadd.s32 @!p0 $0xFFFFA000  }
0xaf: {  	v3 =	vld [tilespmem:s4+$0x0];
	_ =	sdelay $0x4  }
0xb0: {  	v62 =	vshrl.u32 v3, $0x3  }
0xb1: {  	v4 =	vmul.u32 $0x30, v62  }
0xb2: {  	v3 =	vand.u32 $0x7, v3  }
0xb3: {  	v3 =	vor.u32 v3, v4  }
0xb4: {  	v4 =	vperm.xlane v3, v0;
	_ =	sdelay $0x1  }
0xb5: {  	v4 =	vadd.s32 v1, v4;
	_ =	sdelay $0x3  }
0xb6: {  	v3 =	vperm.xlane v3, v2  }
0xb7: {  	[tilespmem:s28], [sflag:$0x4] =	stream.indirect_vreg.gather [hbm4b:s2+s3], $0x80, v4, vm0, $0xb8;
	[tilespmem:$0x18800] =	vst v63  }
0xb8: {  	v3 =	vadd.s32 v1, v3  }
0xb9: {  	[tilespmem:s29], [sflag:$0x4] =	stream.indirect_vreg.gather [hbm4b:s5+s3], $0x80, v4, vm0, $0xb8;
	[tilespmem:$0x18800] =	vst v63  }
0xba: {  	_ = 	snop  }
0xbb: {  	[tilespmem:s30], [sflag:$0x4] =	stream.indirect_vreg.gather [hbm4b:s6+s3], $0x80, v4, vm0, $0xb8;
	[tilespmem:$0x18800] =	vst v63  }
0xbc: {  	_ = 	snop  }
0xbd: {  	[tilespmem:s31], [sflag:$0x4] =	stream.indirect_vreg.gather [hbm4b:s2+s3], $0x80, v3, vm0, $0xb8;
	[tilespmem:$0x18800] =	vst v63  }
0xbe: {  	_ = 	snop  }
0xbf: {  	[tilespmem:s0], [sflag:$0x4] =	stream.indirect_vreg.gather [hbm4b:s5+s3], $0x80, v3, vm0, $0xb8;
	[tilespmem:$0x18800] =	vst v63  }
0xc0: {  	_ = 	snop  }
0xc1: {  	[tilespmem:s1], [sflag:$0x4] =	stream.indirect_vreg.gather [hbm4b:s6+s3], $0x80, v3, vm0, $0xb8;
	[tilespmem:$0x18800] =	vst v63  }
0xc2: {  	v3 =	vld [tilespmem:s4+$0x10];
	_ =	sdelay $0x4  }
0xc3: {  	v63 =	vshrl.u32 v3, $0x3  }
0xc4: {  	v4 =	vmul.u32 $0x30, v63  }
0xc5: {  	v3 =	vand.u32 $0x7, v3  }
0xc6: {  	v3 =	vor.u32 v3, v4  }
0xc7: {  	v4 =	vperm.xlane v3, v0;
	_ =	sdelay $0x1  }
0xc8: {  	v4 =	vadd.s32 v1, v4;
	_ =	sdelay $0x3  }
0xc9: {  	v3 =	vperm.xlane v3, v2  }
0xca: {  	[tilespmem:s13], [sflag:$0x4] =	stream.indirect_vreg.gather [hbm4b:s2+s3], $0x80, v4, vm0, $0xb8;
	[tilespmem:$0x18800] =	vst v63  }
0xcb: {  	v3 =	vadd.s32 v1, v3  }
0xcc: {  	[tilespmem:s14], [sflag:$0x4] =	stream.indirect_vreg.gather [hbm4b:s5+s3], $0x80, v4, vm0, $0xb8;
	[tilespmem:$0x18800] =	vst v63  }
0xcd: {  	_ = 	snop  }
0xce: {  	[tilespmem:s15], [sflag:$0x4] =	stream.indirect_vreg.gather [hbm4b:s6+s3], $0x80, v4, vm0, $0xb8;
	[tilespmem:$0x18800] =	vst v63  }
0xcf: {  	_ = 	snop  }
0xd0: {  	[tilespmem:s18], [sflag:$0x4] =	stream.indirect_vreg.gather [hbm4b:s2+s3], $0x80, v3, vm0, $0xb8;
	[tilespmem:$0x18800] =	vst v63  }
0xd1: {  	_ = 	snop  }
0xd2: {  	[tilespmem:s19], [sflag:$0x4] =	stream.indirect_vreg.gather [hbm4b:s5+s3], $0x80, v3, vm0, $0xb8;
	[tilespmem:$0x18800] =	vst v63  }
0xd3: {  	_ = 	snop  }
0xd4: {  	[tilespmem:s20], [sflag:$0x4] =	stream.indirect_vreg.gather [hbm4b:s6+s3], $0x80, v3, vm0, $0xb8;
	[tilespmem:$0x18800] =	vst v63  }
0xd5: {  	_ =	swait.ge [sflag:s21], $0x6000  }
0xd6: {  	p0 =	seq.s32 s7, $0x2D000;
	[sflag:s21] =	ssyncset.done $0x0  }
0xd7: {  	s12 =	sadd.s32 s7, s8;
	s11 =	simm.s32 @!p0 $0x5;
	[sflag:s21] =	ssyncadd.s32 $0xFFFFA000  }
0xd8: {  	[hbm4b:s12+s3] =	stream.linear.scatter [tilespmem:s17], [sflag:$0x7], $0x6000, $0x38;
	[tilespmem:$0x18800] =	vst v63  }
0xd9: {  	_ =	swait.ge @!p0 [sflag:s11], $0x6000  }
0xda: {  	[sflag:s11] =	ssyncset.done @!p0 $0x0  }
0xdb: {  	[sflag:s11] =	ssyncadd.s32 @!p0 $0xFFFFA000  }
0xdc: {  	v3 =	vld @!p0 [tilespmem:s4+$0x20];
	_ =	sdelay $0x4  }
0xdd: {  	v4 =	vshrl.u32 @!p0 v3, $0x3  }
0xde: {  	v4 =	vmul.u32 @!p0 $0x30, v4  }
0xdf: {  	v5 =	vlaneseq.u32 @!p0;
	v3 =	vand.u32 @!p0 $0x7, v3  }
0xe0: {  	v6 =	vshrl.u32 @!p0 v5, $0x3;
	v3 =	vor.u32 @!p0 v3, v4;
	v4 =	vand.u32 @!p0 $0x7, v5  }
0xe1: {  	v6 =	vmul.u32 @!p0 $0x8, v6;
	v7 =	vperm.xlane @!p0 v3, v4;
	_ =	sdelay $0x1  }
0xe2: {  	v7 =	vadd.s32 @!p0 v6, v7;
	_ =	sdelay $0x2  }
0xe3: {  	v5 =	vor.u32 @!p0 $0x8, v5  }
0xe4: {  	vm1 =	vmmov @!p0 $0xffff;
	s12 =	simm.s32 @!p0 $0x800;
	s11 =	simm.s32 @!p0 $0x0;
	v3 =	vperm.xlane @!p0 v3, v5  }
0xe5: {  	[tilespmem:s12], [sflag:$0x1] =	stream.indirect_vreg.gather @!p0 [hbm4b:s2+s11], $0x80, v7, vm1, $0xb8;
	[tilespmem:$0x18800] =	vst v63  }
0xe6: {  	v3 =	vadd.s32 @!p0 v6, v3;
	s12 =	simm.s32 @!p0 $0x1000  }
0xe7: {  	[tilespmem:s12], [sflag:$0x1] =	stream.indirect_vreg.gather @!p0 [hbm4b:s5+s11], $0x80, v7, vm1, $0xb8;
	[tilespmem:$0x18800] =	vst v63  }
0xe8: {  	s12 =	simm.s32 @!p0 $0x1800  }
0xe9: {  	[tilespmem:s12], [sflag:$0x1] =	stream.indirect_vreg.gather @!p0 [hbm4b:s6+s11], $0x80, v7, vm1, $0xb8;
	[tilespmem:$0x18800] =	vst v63  }
0xea: {  	s12 =	simm.s32 @!p0 $0x2000  }
0xeb: {  	[tilespmem:s12], [sflag:$0x1] =	stream.indirect_vreg.gather @!p0 [hbm4b:s2+s11], $0x80, v3, vm1, $0xb8;
	[tilespmem:$0x18800] =	vst v63  }
0xec: {  	s12 =	simm.s32 @!p0 $0x2800  }
0xed: {  	[tilespmem:s12], [sflag:$0x1] =	stream.indirect_vreg.gather @!p0 [hbm4b:s5+s11], $0x80, v3, vm1, $0xb8;
	[tilespmem:$0x18800] =	vst v63  }
0xee: {  	s12 =	simm.s32 @!p0 $0x3000  }
0xef: {  	[tilespmem:s12], [sflag:$0x1] =	stream.indirect_vreg.gather @!p0 [hbm4b:s6+s11], $0x80, v3, vm1, $0xb8;
	[tilespmem:$0x18800] =	vst v63  }
0xf0: {  	v3 =	vld @!p0 [tilespmem:s4+$0x30];
	_ =	sdelay $0x4  }
0xf1: {  	v7 =	vshrl.u32 @!p0 v3, $0x3  }
0xf2: {  	v7 =	vmul.u32 @!p0 $0x30, v7  }
0xf3: {  	v3 =	vand.u32 @!p0 $0x7, v3  }
0xf4: {  	v3 =	vor.u32 @!p0 v3, v7  }
0xf5: {  	v4 =	vperm.xlane @!p0 v3, v4;
	_ =	sdelay $0x1  }
0xf6: {  	v4 =	vadd.s32 @!p0 v6, v4;
	_ =	sdelay $0x3  }
0xf7: {  	s12 =	simm.s32 @!p0 $0x3800;
	v3 =	vperm.xlane @!p0 v3, v5  }
0xf8: {  	[tilespmem:s12], [sflag:$0x1] =	stream.indirect_vreg.gather @!p0 [hbm4b:s2+s11], $0x80, v4, vm1, $0xb8;
	[tilespmem:$0x18800] =	vst v63  }
0xf9: {  	v3 =	vadd.s32 @!p0 v6, v3;
	s12 =	simm.s32 @!p0 $0x4000  }
0xfa: {  	[tilespmem:s12], [sflag:$0x1] =	stream.indirect_vreg.gather @!p0 [hbm4b:s5+s11], $0x80, v4, vm1, $0xb8;
	[tilespmem:$0x18800] =	vst v63  }
0xfb: {  	s12 =	simm.s32 @!p0 $0x4800  }
0xfc: {  	[tilespmem:s12], [sflag:$0x1] =	stream.indirect_vreg.gather @!p0 [hbm4b:s6+s11], $0x80, v4, vm1, $0xb8;
	[tilespmem:$0x18800] =	vst v63  }
0xfd: {  	s12 =	simm.s32 @!p0 $0x5000  }
0xfe: {  	[tilespmem:s12], [sflag:$0x1] =	stream.indirect_vreg.gather @!p0 [hbm4b:s2+s11], $0x80, v3, vm1, $0xb8;
	[tilespmem:$0x18800] =	vst v63  }
0xff: {  	s12 =	simm.s32 @!p0 $0x5800  }
0x100: {  	[tilespmem:s12], [sflag:$0x1] =	stream.indirect_vreg.gather @!p0 [hbm4b:s5+s11], $0x80, v3, vm1, $0xb8;
	[tilespmem:$0x18800] =	vst v63  }
0x101: {  	s12 =	simm.s32 @!p0 $0x6000  }
0x102: {  	[tilespmem:s12], [sflag:$0x1] =	stream.indirect_vreg.gather @!p0 [hbm4b:s6+s11], $0x80, v3, vm1, $0xb8;
	[tilespmem:$0x18800] =	vst v63  }
.Ltmp2:
0x103: {  	_ = 	snop;
	(pc) =	sbr.rel @p0 .LBB2_4-.Ltmp2, $4  }
0x104: {  	_ =	swait.ge [sflag:s22], $0x6000  }
0x105: {  	[sflag:s22] =	ssyncset.done $0x0  }
0x106: {  	s12 =	sadd.s32 s7, s9;
	[sflag:s22] =	ssyncadd.s32 $0xFFFFA000  }
0x107: {  	[hbm4b:s12+s3] =	stream.linear.scatter [tilespmem:s28], [sflag:$0x8], $0x6000, $0x38;
	[tilespmem:$0x18800] =	vst v63  }
0x108: {  	_ =	swait.ge [sflag:s23], $0x6000  }
0x109: {  	[sflag:s23] =	ssyncset.done $0x0  }
0x10a: {  	[sflag:s23] =	ssyncadd.s32 $0xFFFFA000  }
0x10b: {  	v3 =	vld [tilespmem:s4+$0x40];
	_ =	sdelay $0x4  }
0x10c: {  	v4 =	vshrl.u32 v3, $0x3  }
0x10d: {  	v4 =	vmul.u32 $0x30, v4  }
0x10e: {  	v3 =	vand.u32 $0x7, v3  }
0x10f: {  	v3 =	vor.u32 v3, v4  }
0x110: {  	v4 =	vperm.xlane v3, v0;
	_ =	sdelay $0x1  }
0x111: {  	v4 =	vadd.s32 v1, v4;
	_ =	sdelay $0x3  }
0x112: {  	v3 =	vperm.xlane v3, v2  }
0x113: {  	[tilespmem:s24], [sflag:$0x2] =	stream.indirect_vreg.gather [hbm4b:s2+s3], $0x80, v4, vm0, $0xb8;
	[tilespmem:$0x18800] =	vst v63  }
0x114: {  	s11 =	simm.s32 $0x7000;
	v3 =	vadd.s32 v1, v3  }
0x115: {  	[tilespmem:s11], [sflag:$0x2] =	stream.indirect_vreg.gather [hbm4b:s5+s3], $0x80, v4, vm0, $0xb8;
	[tilespmem:$0x18800] =	vst v63  }
0x116: {  	s12 =	simm.s32 $0x7800  }
0x117: {  	[tilespmem:s12], [sflag:$0x2] =	stream.indirect_vreg.gather [hbm4b:s6+s3], $0x80, v4, vm0, $0xb8;
	[tilespmem:$0x18800] =	vst v63  }
0x118: {  	s12 =	simm.s32 $0x8000  }
0x119: {  	[tilespmem:s12], [sflag:$0x2] =	stream.indirect_vreg.gather [hbm4b:s2+s3], $0x80, v3, vm0, $0xb8;
	[tilespmem:$0x18800] =	vst v63  }
0x11a: {  	s12 =	simm.s32 $0x8800  }
0x11b: {  	[tilespmem:s12], [sflag:$0x2] =	stream.indirect_vreg.gather [hbm4b:s5+s3], $0x80, v3, vm0, $0xb8;
	[tilespmem:$0x18800] =	vst v63  }
0x11c: {  	s12 =	simm.s32 $0x9000  }
0x11d: {  	[tilespmem:s12], [sflag:$0x2] =	stream.indirect_vreg.gather [hbm4b:s6+s3], $0x80, v3, vm0, $0xb8;
	[tilespmem:$0x18800] =	vst v63  }
0x11e: {  	v3 =	vld [tilespmem:s4+$0x50];
	_ =	sdelay $0x4  }
0x11f: {  	v63 =	vshrl.u32 v3, $0x3  }
0x120: {  	v4 =	vmul.u32 $0x30, v63  }
0x121: {  	v3 =	vand.u32 $0x7, v3  }
0x122: {  	v3 =	vor.u32 v3, v4  }
0x123: {  	v4 =	vperm.xlane v3, v0;
	_ =	sdelay $0x1  }
0x124: {  	v4 =	vadd.s32 v1, v4;
	_ =	sdelay $0x3  }
0x125: {  	s12 =	simm.s32 $0x9800;
	v3 =	vperm.xlane v3, v2  }
0x126: {  	[tilespmem:s12], [sflag:$0x2] =	stream.indirect_vreg.gather [hbm4b:s2+s3], $0x80, v4, vm0, $0xb8;
	[tilespmem:$0x18800] =	vst v63  }
0x127: {  	v3 =	vadd.s32 v1, v3;
	s12 =	simm.s32 $0xA000  }
0x128: {  	[tilespmem:s12], [sflag:$0x2] =	stream.indirect_vreg.gather [hbm4b:s5+s3], $0x80, v4, vm0, $0xb8;
	[tilespmem:$0x18800] =	vst v63  }
0x129: {  	s12 =	simm.s32 $0xA800  }
0x12a: {  	[tilespmem:s12], [sflag:$0x2] =	stream.indirect_vreg.gather [hbm4b:s6+s3], $0x80, v4, vm0, $0xb8;
	[tilespmem:$0x18800] =	vst v63  }
0x12b: {  	s12 =	simm.s32 $0xB000  }
0x12c: {  	[tilespmem:s12], [sflag:$0x2] =	stream.indirect_vreg.gather [hbm4b:s2+s3], $0x80, v3, vm0, $0xb8;
	[tilespmem:$0x18800] =	vst v63  }
.Ltmp3:
0x12d: {  	_ = 	snop;
	(pc) =	sbr.rel .LBB2_2-.Ltmp3, $4  }
0x12e: {  	s12 =	simm.s32 $0xB800  }
0x12f: {  	[tilespmem:s12], [sflag:$0x2] =	stream.indirect_vreg.gather [hbm4b:s5+s3], $0x80, v3, vm0, $0xb8;
	[tilespmem:$0x18800] =	vst v63  }
0x130: {  	s7 =	sadd.s32 $0x3000, s7;
	s4 =	sadd.s32 $0x80, s4;
	s12 =	simm.s32 $0xC000  }
0x131: {  	[tilespmem:s12], [sflag:$0x2] =	stream.indirect_vreg.gather [hbm4b:s6+s3], $0x80, v3, vm0, $0xb8;
	[tilespmem:$0x18800] =	vst v63  }
.LBB2_5:
0x132: {  	_ =	sfence.sel $0x180000  }
0x133: {  	[bflag:$0x0] =	sbarrier.arrive $0xFFFF  }
0x134: {  	_ =	strace $0x90000047  }
0x135: {  	s0 =	stileid.u32;
	[bflag:$0x2] =	sbarrier.arrive $0xFFFF  }
0x136: {  	p0 =	sne.s32 s0, $0x0;
	s0 =	rddreg [dreg:$0x3]  }
0x137: {  	s0 =	sadd.s32 @!p0 $0x100000, s0  }
0x138: {  	[sflag:s0] =	ssyncadd.tile.s32 @!p0 $0x1;
	_ =	shalt  }
.Lfunc_end2:
_tile_overlayer_lowered:
.L_overlay_start_2:
0x139: {  	(tag) =	ssettag $0x2  }
0x13a: {  	s0 =	rddreg [dreg:$0x0];
	s2 =	stileid.u32  }
0x13b: {  	s1 =	rddreg [dreg:$0x1];
	p0 =	sne.s32 s2, $0x0  }
0x13c: {  	s3 =	rddreg [dreg:$0x2];
	[bflag:$0x3] =	sbarrier.arrive $0xFFFF;
	s2 =	simm.s32 @!p0 $0x1C09  }
0x13d: {  	[timem:s3], [sflag:s2] =	dma.local @!p0 [hbm:s0], s1  }
0x13e: {  	s0 =	simm.s32 @!p0 $0x9  }
0x13f: {  	_ =	swait.ge @!p0 [sflag:s0], s1  }
0x140: {  	s1 =	ssub.s32 @!p0 $0x0, s1;
	[sflag:s0] =	ssyncset.done @!p0 $0x0  }
0x141: {  	[sflag:s0] =	ssyncadd.s32 @!p0 s1  }
0x142: {  	[bflag:$0x3] =	sbarrier.arrive $0xFFFF  }
0x143: {  	_ =	shalt  }

</sc_bundles>
